<compile_context>
chip_gen: v7x
topology: tpu7x:2x2x1
jax: 0.10.2.dev20260603
libtpu: 0.0.44.dev20260713+nightly
codegen_flags: <defaults>
</compile_context>

<pallas_src>
import jax
import jax.numpy as jnp
from jax import lax
from jax.experimental import pallas as pl
from jax.experimental.pallas import tpu as pltpu
from jax.experimental.pallas import tpu_sc as plsc

N = 2048
H = 16
NUM_BINS = 68
NC, NS, L = 2, 16, 16
NW = NC * NS
ROWS_PER_W = N // NW
BINS_PAD = 72
TBL = H * BINS_PAD


def _sc_body(weight_hbm, bins_hbm, out_hbm, table_v, bins0, bins1,
             out0, out1, si0, si1, so0, so1):
    wid = lax.axis_index("s") * NC + lax.axis_index("c")
    pltpu.sync_copy(weight_hbm, table_v)
    row0 = wid * ROWS_PER_W
    binsb = (bins0, bins1)
    outb = (out0, out1)
    sin = (si0, si1)
    sout = (so0, so1)

    for b in range(2):
        pltpu.async_copy(bins_hbm.at[pl.ds(row0 + b, 1), :], binsb[b], sin[b])

    @pl.loop(0, ROWS_PER_W, step=2)
    def _row(ci):
        for b in range(2):
            c = ci + b
            row = row0 + c
            bv = binsb[b]
            ov = outb[b]
            pltpu.make_async_copy(bins_hbm.at[pl.ds(0, 1), :], bv,
                                  sin[b]).wait()
            @pl.when(c >= 2)
            def _drain():
                pltpu.make_async_copy(
                    out_hbm.at[:, pl.ds(0, 1), :], ov, sout[b]).wait()

            @plsc.parallel_loop(0, N // L, unroll=4)
            def _vec(i):
                idx = bv[0, pl.ds(i * L, L)]
                for h in range(H):
                    ov[h, 0, pl.ds(i * L, L)] = plsc.load_gather(
                        table_v.at[pl.ds(h * BINS_PAD, NUM_BINS)], [idx])

            @pl.when(c + 2 < ROWS_PER_W)
            def _prefetch():
                pltpu.async_copy(bins_hbm.at[pl.ds(row + 2, 1), :], bv,
                                 sin[b])

            pltpu.async_copy(ov, out_hbm.at[:, pl.ds(row, 1), :], sout[b])

    for b in range(2):
        pltpu.make_async_copy(out_hbm.at[:, pl.ds(0, 1), :], outb[b],
                              sout[b]).wait()


def kernel(bins, weight):
    k = pl.kernel(
        _sc_body,
        out_type=jax.ShapeDtypeStruct((H, N, N), jnp.float32),
        mesh=plsc.VectorSubcoreMesh(core_axis_name="c", subcore_axis_name="s"),
        compiler_params=pltpu.CompilerParams(needs_layout_passes=False),
        scratch_types=[
            pltpu.VMEM((TBL,), jnp.float32),
            pltpu.VMEM((1, N), jnp.int32),
            pltpu.VMEM((1, N), jnp.int32),
            pltpu.VMEM((H, 1, N), jnp.float32),
            pltpu.VMEM((H, 1, N), jnp.float32),
            pltpu.SemaphoreType.DMA,
            pltpu.SemaphoreType.DMA,
            pltpu.SemaphoreType.DMA,
            pltpu.SemaphoreType.DMA,
        ],
    )
    wpad = jnp.pad(weight, ((0, 0), (0, BINS_PAD - NUM_BINS)))
    return k(wpad.reshape(TBL), bins)

# --- scband reference (transcript-rebuilt; emitter-appended) ---
"""Pipeline reference for scband-position-bias-35983236006594 (READ-ONLY COPY).

The authoritative reference and input builder live on the scoring server;
editing this copy changes nothing except your own understanding.
"""

import jax, jax.numpy as jnp
import numpy as np

N = 2048
H = 16
NUM_BINS = 68

def setup_inputs(seed: int = 0) -> dict:
    key = jax.random.key(seed)
    k1, k2 = jax.random.split(key)
    bins = jax.random.randint(k1, (N, N), 0, NUM_BINS, dtype=jnp.int32)
    # learned parameter: (num_heads, num_bins); zeros-init in the original module,
    # use small random values so the reference output is nontrivial
    weight = jax.random.normal(k2, (H, NUM_BINS), dtype=jnp.float32) * 0.02
    return {"bins": bins, "weight": weight}

def reference(bins, weight):
    # torch: self.weight[:, bins.long()] -> gather along bin axis with 2D index
    # result shape (H, N, N)
    return jnp.take(weight, bins, axis=1)

if __name__ == "__main__":
    import jax
    _d = setup_inputs()
    print(jax.jit(kernel)(*tuple(_d.values())))

</pallas_src>

<mosaic_0001>
#map = affine_map<(d0, d1) -> (0)>
#map1 = affine_map<(d0, d1) -> (0, 0)>
#map2 = affine_map<(d0, d1) -> (0, 0, 0)>
module attributes {stable_mosaic.version = 14 : i64} {
  func.func @_sc_body(%arg0: i32, %arg1: i32, %arg2: memref<1152xf32, #tpu.memory_space<hbm>>, %arg3: memref<2048x2048xi32, #tpu.memory_space<hbm>>, %arg4: memref<16x2048x2048xf32, #tpu.memory_space<hbm>>, %arg5: memref<1152xf32, #tpu.memory_space<vmem>>, %arg6: memref<1x2048xi32, #tpu.memory_space<vmem>>, %arg7: memref<1x2048xi32, #tpu.memory_space<vmem>>, %arg8: memref<16x1x2048xf32, #tpu.memory_space<vmem>>, %arg9: memref<16x1x2048xf32, #tpu.memory_space<vmem>>, %arg10: memref<!tpu.dma_semaphore, #tpu.memory_space<semaphore_mem>>, %arg11: memref<!tpu.dma_semaphore, #tpu.memory_space<semaphore_mem>>, %arg12: memref<!tpu.dma_semaphore, #tpu.memory_space<semaphore_mem>>, %arg13: memref<!tpu.dma_semaphore, #tpu.memory_space<semaphore_mem>>) attributes {dimension_semantics = [#tpu.dimension_semantics<core_parallel>, #tpu.dimension_semantics<subcore_parallel>], iteration_bounds = array<i64: 2, 16>, scalar_prefetch = 0 : i64, scratch_operands = 9 : i64, tpu.core_type = #tpu.core_type<sc_vector_subcore>, window_params = [{transform_indices = #map}, {transform_indices = #map1}, {transform_indices = #map2}]} {
    %mul3A = arith.constant 2 : i32
    %mul3A_0 = arith.muli %arg1, %mul3A : i32
    %add3A = arith.addi %mul3A_0, %arg0 : i32
    "tpu.region"() ({
      %run_scoped3A = tpu.sem_alloc : memref<!tpu.dma_semaphore, #tpu.memory_space<semaphore_mem>>
      tpu.enqueue_dma source(%arg2 : memref<1152xf32, #tpu.memory_space<hbm>>) target(%arg5 : memref<1152xf32, #tpu.memory_space<vmem>>) target_semaphore(%run_scoped3A : memref<!tpu.dma_semaphore, #tpu.memory_space<semaphore_mem>>)
      tpu.wait_dma2 semaphore(%run_scoped3A : memref<!tpu.dma_semaphore, #tpu.memory_space<semaphore_mem>>) src(%arg2 : memref<1152xf32, #tpu.memory_space<hbm>>) dst(%arg5 : memref<1152xf32, #tpu.memory_space<vmem>>)
      tpu.yield
    }) : () -> ()
    %mul3A_1 = arith.constant 64 : i32
    %mul3A_2 = arith.muli %add3A, %mul3A_1 : i32
    %add3A_3 = arith.constant 0 : i32
    %add3A_4 = arith.addi %mul3A_2, %add3A_3 : i32
    %dma_start3A = arith.constant 0 : i32
    %dma_start3A_5 = tpu.memref_slice %arg3[%add3A_4, %dma_start3A] : memref<2048x2048xi32, #tpu.memory_space<hbm>> -> memref<1x2048xi32, #tpu.memory_space<hbm>>
    %dma_start3A_6 = arith.constant 0 : i32
    %dma_start3A_7 = tpu.memref_slice %arg3[%add3A_4, %dma_start3A_6] : memref<2048x2048xi32, #tpu.memory_space<hbm>> -> memref<1x2048xi32, #tpu.memory_space<hbm>>
    tpu.enqueue_dma source(%dma_start3A_7 : memref<1x2048xi32, #tpu.memory_space<hbm>>) target(%arg6 : memref<1x2048xi32, #tpu.memory_space<vmem>>) target_semaphore(%arg10 : memref<!tpu.dma_semaphore, #tpu.memory_space<semaphore_mem>>)
    %add3A_8 = arith.constant 1 : i32
    %add3A_9 = arith.addi %mul3A_2, %add3A_8 : i32
    %dma_start3A_10 = arith.constant 0 : i32
    %dma_start3A_11 = tpu.memref_slice %arg3[%add3A_9, %dma_start3A_10] : memref<2048x2048xi32, #tpu.memory_space<hbm>> -> memref<1x2048xi32, #tpu.memory_space<hbm>>
    %dma_start3A_12 = arith.constant 0 : i32
    %dma_start3A_13 = tpu.memref_slice %arg3[%add3A_9, %dma_start3A_12] : memref<2048x2048xi32, #tpu.memory_space<hbm>> -> memref<1x2048xi32, #tpu.memory_space<hbm>>
    tpu.enqueue_dma source(%dma_start3A_13 : memref<1x2048xi32, #tpu.memory_space<hbm>>) target(%arg7 : memref<1x2048xi32, #tpu.memory_space<vmem>>) target_semaphore(%arg11 : memref<!tpu.dma_semaphore, #tpu.memory_space<semaphore_mem>>)
    %scan3A = arith.constant 0 : i32
    %scan3A_14 = arith.constant 32 : i32
    %scan3A_15 = arith.addi %scan3A, %scan3A_14 : i32
    %scan3A_16 = arith.constant 1 : i32
    scf.for %scan3A_33 = %scan3A to %scan3A_15 step %scan3A_16  : i32 {
      %mul3A_34 = arith.constant 2 : i32
      %mul3A_35 = arith.muli %scan3A_33, %mul3A_34 : i32
      %add3A_36 = arith.constant 0 : i32
      %add3A_37 = arith.addi %add3A_36, %mul3A_35 : i32
      %add3A_38 = arith.constant 0 : i32
      %add3A_39 = arith.addi %add3A_37, %add3A_38 : i32
      %add3A_40 = arith.addi %mul3A_2, %add3A_39 : i32
      %dma_wait3A_41 = arith.constant 0 : i32
      %dma_wait3A_42 = arith.constant 0 : i32
      %dma_wait3A_43 = tpu.memref_slice %arg3[%dma_wait3A_41, %dma_wait3A_42] : memref<2048x2048xi32, #tpu.memory_space<hbm>> -> memref<1x2048xi32, #tpu.memory_space<hbm>>
      %dma_wait3A_44 = arith.constant 0 : i32
      %dma_wait3A_45 = arith.constant 0 : i32
      %dma_wait3A_46 = tpu.memref_slice %arg3[%dma_wait3A_44, %dma_wait3A_45] : memref<2048x2048xi32, #tpu.memory_space<hbm>> -> memref<1x2048xi32, #tpu.memory_space<hbm>>
      tpu.wait_dma2 semaphore(%arg10 : memref<!tpu.dma_semaphore, #tpu.memory_space<semaphore_mem>>) src(%dma_wait3A_46 : memref<1x2048xi32, #tpu.memory_space<hbm>>) dst(%arg6 : memref<1x2048xi32, #tpu.memory_space<vmem>>)
      %ge3A = arith.constant 2 : i32
      %ge3A_47 = arith.cmpi sge, %add3A_39, %ge3A : i32
      %convert_element_type3A = arith.extui %ge3A_47 : i1 to i32
      %cond3A = arith.constant 0 : i32
      %cond3A_48 = arith.cmpi ne, %convert_element_type3A, %cond3A : i32
      scf.if %cond3A_48 {
        %dma_wait3A_93 = arith.constant 0 : i32
        %dma_wait3A_94 = arith.constant 0 : i32
        %dma_wait3A_95 = arith.constant 0 : i32
        %dma_wait3A_96 = tpu.memref_slice %arg4[%dma_wait3A_93, %dma_wait3A_94, %dma_wait3A_95] : memref<16x2048x2048xf32, #tpu.memory_space<hbm>> -> memref<16x1x2048xf32, #tpu.memory_space<hbm>>
        %dma_wait3A_97 = arith.constant 0 : i32
        %dma_wait3A_98 = arith.constant 0 : i32
        %dma_wait3A_99 = arith.constant 0 : i32
        %dma_wait3A_100 = tpu.memref_slice %arg4[%dma_wait3A_97, %dma_wait3A_98, %dma_wait3A_99] : memref<16x2048x2048xf32, #tpu.memory_space<hbm>> -> memref<16x1x2048xf32, #tpu.memory_space<hbm>>
        tpu.wait_dma2 semaphore(%arg12 : memref<!tpu.dma_semaphore, #tpu.memory_space<semaphore_mem>>) src(%dma_wait3A_100 : memref<16x1x2048xf32, #tpu.memory_space<hbm>>) dst(%arg8 : memref<16x1x2048xf32, #tpu.memory_space<vmem>>)
      } else {
      }
      %parallel_loop3A = arith.constant 0 : i32
      %parallel_loop3A_49 = arith.constant 128 : i32
      %parallel_loop3A_50 = arith.constant 1 : i32
      scf.for %parallel_loop3A_93 = %parallel_loop3A to %parallel_loop3A_49 step %parallel_loop3A_50  : i32 {
        %parallel_loop3A_94 = arith.constant 16 : i32
        %parallel_loop3A_95 = arith.muli %parallel_loop3A_93, %parallel_loop3A_94 : i32
        %parallel_loop3A_96 = arith.constant 0 : i32
        %parallel_loop3A_97 = arith.index_cast %parallel_loop3A_96 : i32 to index
        %parallel_loop3A_98 = arith.index_cast %parallel_loop3A_95 : i32 to index
        %parallel_loop3A_99 = tpu.vector_load %arg6[%parallel_loop3A_97, %parallel_loop3A_98] {strides = array<i32>} : memref<1x2048xi32, #tpu.memory_space<vmem>>, vector<16xi32>,
        %parallel_loop3A_100 = arith.constant 0 : i32
        %parallel_loop3A_101 = tpu.memref_slice %arg5[%parallel_loop3A_100] : memref<1152xf32, #tpu.memory_space<vmem>> -> memref<68xf32, #tpu.memory_space<vmem>>
        %parallel_loop3A_102 = tpu.vector_load_idx %parallel_loop3A_101[%parallel_loop3A_99] : memref<68xf32, #tpu.memory_space<vmem>>[vector<16xi32>], vector<16xf32>,
        %parallel_loop3A_103 = arith.constant 16 : i32
        %parallel_loop3A_104 = arith.muli %parallel_loop3A_93, %parallel_loop3A_103 : i32
        %parallel_loop3A_105 = arith.constant 0 : i32
        %parallel_loop3A_106 = arith.constant 0 : i32
        %parallel_loop3A_107 = arith.index_cast %parallel_loop3A_105 : i32 to index
        %parallel_loop3A_108 = arith.index_cast %parallel_loop3A_106 : i32 to index
        %parallel_loop3A_109 = arith.index_cast %parallel_loop3A_104 : i32 to index
        %parallel_loop3A_110 = tpu.vector_load %arg8[%parallel_loop3A_107, %parallel_loop3A_108, %parallel_loop3A_109] {strides = array<i32>} : memref<16x1x2048xf32, #tpu.memory_space<vmem>>, vector<16xf32>,
        tpu.vector_store %arg8[%parallel_loop3A_107, %parallel_loop3A_108, %parallel_loop3A_109], %parallel_loop3A_102 {strides = array<i32>} : memref<16x1x2048xf32, #tpu.memory_space<vmem>>, vector<16xf32>,
        %parallel_loop3A_111 = arith.constant 72 : i32
        %parallel_loop3A_112 = tpu.memref_slice %arg5[%parallel_loop3A_111] : memref<1152xf32, #tpu.memory_space<vmem>> -> memref<68xf32, #tpu.memory_space<vmem>>
        %parallel_loop3A_113 = tpu.vector_load_idx %parallel_loop3A_112[%parallel_loop3A_99] : memref<68xf32, #tpu.memory_space<vmem>>[vector<16xi32>], vector<16xf32>,
        %parallel_loop3A_114 = arith.constant 16 : i32
        %parallel_loop3A_115 = arith.muli %parallel_loop3A_93, %parallel_loop3A_114 : i32
        %parallel_loop3A_116 = arith.constant 1 : i32
        %parallel_loop3A_117 = arith.constant 0 : i32
        %parallel_loop3A_118 = arith.index_cast %parallel_loop3A_116 : i32 to index
        %parallel_loop3A_119 = arith.index_cast %parallel_loop3A_117 : i32 to index
        %parallel_loop3A_120 = arith.index_cast %parallel_loop3A_115 : i32 to index
        %parallel_loop3A_121 = tpu.vector_load %arg8[%parallel_loop3A_118, %parallel_loop3A_119, %parallel_loop3A_120] {strides = array<i32>} : memref<16x1x2048xf32, #tpu.memory_space<vmem>>, vector<16xf32>,
        tpu.vector_store %arg8[%parallel_loop3A_118, %parallel_loop3A_119, %parallel_loop3A_120], %parallel_loop3A_113 {strides = array<i32>} : memref<16x1x2048xf32, #tpu.memory_space<vmem>>, vector<16xf32>,
        %parallel_loop3A_122 = arith.constant 144 : i32
        %parallel_loop3A_123 = tpu.memref_slice %arg5[%parallel_loop3A_122] : memref<1152xf32, #tpu.memory_space<vmem>> -> memref<68xf32, #tpu.memory_space<vmem>>
        %parallel_loop3A_124 = tpu.vector_load_idx %parallel_loop3A_123[%parallel_loop3A_99] : memref<68xf32, #tpu.memory_space<vmem>>[vector<16xi32>], vector<16xf32>,
        %parallel_loop3A_125 = arith.constant 16 : i32
        %parallel_loop3A_126 = arith.muli %parallel_loop3A_93, %parallel_loop3A_125 : i32
        %parallel_loop3A_127 = arith.constant 2 : i32
        %parallel_loop3A_128 = arith.constant 0 : i32
        %parallel_loop3A_129 = arith.index_cast %parallel_loop3A_127 : i32 to index
        %parallel_loop3A_130 = arith.index_cast %parallel_loop3A_128 : i32 to index
        %parallel_loop3A_131 = arith.index_cast %parallel_loop3A_126 : i32 to index
        %parallel_loop3A_132 = tpu.vector_load %arg8[%parallel_loop3A_129, %parallel_loop3A_130, %parallel_loop3A_131] {strides = array<i32>} : memref<16x1x2048xf32, #tpu.memory_space<vmem>>, vector<16xf32>,
        tpu.vector_store %arg8[%parallel_loop3A_129, %parallel_loop3A_130, %parallel_loop3A_131], %parallel_loop3A_124 {strides = array<i32>} : memref<16x1x2048xf32, #tpu.memory_space<vmem>>, vector<16xf32>,
        %parallel_loop3A_133 = arith.constant 216 : i32
        %parallel_loop3A_134 = tpu.memref_slice %arg5[%parallel_loop3A_133] : memref<1152xf32, #tpu.memory_space<vmem>> -> memref<68xf32, #tpu.memory_space<vmem>>
        %parallel_loop3A_135 = tpu.vector_load_idx %parallel_loop3A_134[%parallel_loop3A_99] : memref<68xf32, #tpu.memory_space<vmem>>[vector<16xi32>], vector<16xf32>,
        %parallel_loop3A_136 = arith.constant 16 : i32
        %parallel_loop3A_137 = arith.muli %parallel_loop3A_93, %parallel_loop3A_136 : i32
        %parallel_loop3A_138 = arith.constant 3 : i32
        %parallel_loop3A_139 = arith.constant 0 : i32
        %parallel_loop3A_140 = arith.index_cast %parallel_loop3A_138 : i32 to index
        %parallel_loop3A_141 = arith.index_cast %parallel_loop3A_139 : i32 to index
        %parallel_loop3A_142 = arith.index_cast %parallel_loop3A_137 : i32 to index
        %parallel_loop3A_143 = tpu.vector_load %arg8[%parallel_loop3A_140, %parallel_loop3A_141, %parallel_loop3A_142] {strides = array<i32>} : memref<16x1x2048xf32, #tpu.memory_space<vmem>>, vector<16xf32>,
        tpu.vector_store %arg8[%parallel_loop3A_140, %parallel_loop3A_141, %parallel_loop3A_142], %parallel_loop3A_135 {strides = array<i32>} : memref<16x1x2048xf32, #tpu.memory_space<vmem>>, vector<16xf32>,
        %parallel_loop3A_144 = arith.constant 288 : i32
        %parallel_loop3A_145 = tpu.memref_slice %arg5[%parallel_loop3A_144] : memref<1152xf32, #tpu.memory_space<vmem>> -> memref<68xf32, #tpu.memory_space<vmem>>
        %parallel_loop3A_146 = tpu.vector_load_idx %parallel_loop3A_145[%parallel_loop3A_99] : memref<68xf32, #tpu.memory_space<vmem>>[vector<16xi32>], vector<16xf32>,
        %parallel_loop3A_147 = arith.constant 16 : i32
        %parallel_loop3A_148 = arith.muli %parallel_loop3A_93, %parallel_loop3A_147 : i32
        %parallel_loop3A_149 = arith.constant 4 : i32
        %parallel_loop3A_150 = arith.constant 0 : i32
        %parallel_loop3A_151 = arith.index_cast %parallel_loop3A_149 : i32 to index
        %parallel_loop3A_152 = arith.index_cast %parallel_loop3A_150 : i32 to index
        %parallel_loop3A_153 = arith.index_cast %parallel_loop3A_148 : i32 to index
        %parallel_loop3A_154 = tpu.vector_load %arg8[%parallel_loop3A_151, %parallel_loop3A_152, %parallel_loop3A_153] {strides = array<i32>} : memref<16x1x2048xf32, #tpu.memory_space<vmem>>, vector<16xf32>,
        tpu.vector_store %arg8[%parallel_loop3A_151, %parallel_loop3A_152, %parallel_loop3A_153], %parallel_loop3A_146 {strides = array<i32>} : memref<16x1x2048xf32, #tpu.memory_space<vmem>>, vector<16xf32>,
        %parallel_loop3A_155 = arith.constant 360 : i32
        %parallel_loop3A_156 = tpu.memref_slice %arg5[%parallel_loop3A_155] : memref<1152xf32, #tpu.memory_space<vmem>> -> memref<68xf32, #tpu.memory_space<vmem>>
        %parallel_loop3A_157 = tpu.vector_load_idx %parallel_loop3A_156[%parallel_loop3A_99] : memref<68xf32, #tpu.memory_space<vmem>>[vector<16xi32>], vector<16xf32>,
        %parallel_loop3A_158 = arith.constant 16 : i32
        %parallel_loop3A_159 = arith.muli %parallel_loop3A_93, %parallel_loop3A_158 : i32
        %parallel_loop3A_160 = arith.constant 5 : i32
        %parallel_loop3A_161 = arith.constant 0 : i32
        %parallel_loop3A_162 = arith.index_cast %parallel_loop3A_160 : i32 to index
        %parallel_loop3A_163 = arith.index_cast %parallel_loop3A_161 : i32 to index
        %parallel_loop3A_164 = arith.index_cast %parallel_loop3A_159 : i32 to index
        %parallel_loop3A_165 = tpu.vector_load %arg8[%parallel_loop3A_162, %parallel_loop3A_163, %parallel_loop3A_164] {strides = array<i32>} : memref<16x1x2048xf32, #tpu.memory_space<vmem>>, vector<16xf32>,
        tpu.vector_store %arg8[%parallel_loop3A_162, %parallel_loop3A_163, %parallel_loop3A_164], %parallel_loop3A_157 {strides = array<i32>} : memref<16x1x2048xf32, #tpu.memory_space<vmem>>, vector<16xf32>,
        %parallel_loop3A_166 = arith.constant 432 : i32
        %parallel_loop3A_167 = tpu.memref_slice %arg5[%parallel_loop3A_166] : memref<1152xf32, #tpu.memory_space<vmem>> -> memref<68xf32, #tpu.memory_space<vmem>>
        %parallel_loop3A_168 = tpu.vector_load_idx %parallel_loop3A_167[%parallel_loop3A_99] : memref<68xf32, #tpu.memory_space<vmem>>[vector<16xi32>], vector<16xf32>,
        %parallel_loop3A_169 = arith.constant 16 : i32
        %parallel_loop3A_170 = arith.muli %parallel_loop3A_93, %parallel_loop3A_169 : i32
        %parallel_loop3A_171 = arith.constant 6 : i32
        %parallel_loop3A_172 = arith.constant 0 : i32
        %parallel_loop3A_173 = arith.index_cast %parallel_loop3A_171 : i32 to index
        %parallel_loop3A_174 = arith.index_cast %parallel_loop3A_172 : i32 to index
        %parallel_loop3A_175 = arith.index_cast %parallel_loop3A_170 : i32 to index
        %parallel_loop3A_176 = tpu.vector_load %arg8[%parallel_loop3A_173, %parallel_loop3A_174, %parallel_loop3A_175] {strides = array<i32>} : memref<16x1x2048xf32, #tpu.memory_space<vmem>>, vector<16xf32>,
        tpu.vector_store %arg8[%parallel_loop3A_173, %parallel_loop3A_174, %parallel_loop3A_175], %parallel_loop3A_168 {strides = array<i32>} : memref<16x1x2048xf32, #tpu.memory_space<vmem>>, vector<16xf32>,
        %parallel_loop3A_177 = arith.constant 504 : i32
        %parallel_loop3A_178 = tpu.memref_slice %arg5[%parallel_loop3A_177] : memref<1152xf32, #tpu.memory_space<vmem>> -> memref<68xf32, #tpu.memory_space<vmem>>
        %parallel_loop3A_179 = tpu.vector_load_idx %parallel_loop3A_178[%parallel_loop3A_99] : memref<68xf32, #tpu.memory_space<vmem>>[vector<16xi32>], vector<16xf32>,
        %parallel_loop3A_180 = arith.constant 16 : i32
        %parallel_loop3A_181 = arith.muli %parallel_loop3A_93, %parallel_loop3A_180 : i32
        %parallel_loop3A_182 = arith.constant 7 : i32
        %parallel_loop3A_183 = arith.constant 0 : i32
        %parallel_loop3A_184 = arith.index_cast %parallel_loop3A_182 : i32 to index
        %parallel_loop3A_185 = arith.index_cast %parallel_loop3A_183 : i32 to index
        %parallel_loop3A_186 = arith.index_cast %parallel_loop3A_181 : i32 to index
        %parallel_loop3A_187 = tpu.vector_load %arg8[%parallel_loop3A_184, %parallel_loop3A_185, %parallel_loop3A_186] {strides = array<i32>} : memref<16x1x2048xf32, #tpu.memory_space<vmem>>, vector<16xf32>,
        tpu.vector_store %arg8[%parallel_loop3A_184, %parallel_loop3A_185, %parallel_loop3A_186], %parallel_loop3A_179 {strides = array<i32>} : memref<16x1x2048xf32, #tpu.memory_space<vmem>>, vector<16xf32>,
        %parallel_loop3A_188 = arith.constant 576 : i32
        %parallel_loop3A_189 = tpu.memref_slice %arg5[%parallel_loop3A_188] : memref<1152xf32, #tpu.memory_space<vmem>> -> memref<68xf32, #tpu.memory_space<vmem>>
        %parallel_loop3A_190 = tpu.vector_load_idx %parallel_loop3A_189[%parallel_loop3A_99] : memref<68xf32, #tpu.memory_space<vmem>>[vector<16xi32>], vector<16xf32>,
        %parallel_loop3A_191 = arith.constant 16 : i32
        %parallel_loop3A_192 = arith.muli %parallel_loop3A_93, %parallel_loop3A_191 : i32
        %parallel_loop3A_193 = arith.constant 8 : i32
        %parallel_loop3A_194 = arith.constant 0 : i32
        %parallel_loop3A_195 = arith.index_cast %parallel_loop3A_193 : i32 to index
        %parallel_loop3A_196 = arith.index_cast %parallel_loop3A_194 : i32 to index
        %parallel_loop3A_197 = arith.index_cast %parallel_loop3A_192 : i32 to index
        %parallel_loop3A_198 = tpu.vector_load %arg8[%parallel_loop3A_195, %parallel_loop3A_196, %parallel_loop3A_197] {strides = array<i32>} : memref<16x1x2048xf32, #tpu.memory_space<vmem>>, vector<16xf32>,
        tpu.vector_store %arg8[%parallel_loop3A_195, %parallel_loop3A_196, %parallel_loop3A_197], %parallel_loop3A_190 {strides = array<i32>} : memref<16x1x2048xf32, #tpu.memory_space<vmem>>, vector<16xf32>,
        %parallel_loop3A_199 = arith.constant 648 : i32
        %parallel_loop3A_200 = tpu.memref_slice %arg5[%parallel_loop3A_199] : memref<1152xf32, #tpu.memory_space<vmem>> -> memref<68xf32, #tpu.memory_space<vmem>>
        %parallel_loop3A_201 = tpu.vector_load_idx %parallel_loop3A_200[%parallel_loop3A_99] : memref<68xf32, #tpu.memory_space<vmem>>[vector<16xi32>], vector<16xf32>,
        %parallel_loop3A_202 = arith.constant 16 : i32
        %parallel_loop3A_203 = arith.muli %parallel_loop3A_93, %parallel_loop3A_202 : i32
        %parallel_loop3A_204 = arith.constant 9 : i32
        %parallel_loop3A_205 = arith.constant 0 : i32
        %parallel_loop3A_206 = arith.index_cast %parallel_loop3A_204 : i32 to index
        %parallel_loop3A_207 = arith.index_cast %parallel_loop3A_205 : i32 to index
        %parallel_loop3A_208 = arith.index_cast %parallel_loop3A_203 : i32 to index
        %parallel_loop3A_209 = tpu.vector_load %arg8[%parallel_loop3A_206, %parallel_loop3A_207, %parallel_loop3A_208] {strides = array<i32>} : memref<16x1x2048xf32, #tpu.memory_space<vmem>>, vector<16xf32>,
        tpu.vector_store %arg8[%parallel_loop3A_206, %parallel_loop3A_207, %parallel_loop3A_208], %parallel_loop3A_201 {strides = array<i32>} : memref<16x1x2048xf32, #tpu.memory_space<vmem>>, vector<16xf32>,
        %parallel_loop3A_210 = arith.constant 720 : i32
        %parallel_loop3A_211 = tpu.memref_slice %arg5[%parallel_loop3A_210] : memref<1152xf32, #tpu.memory_space<vmem>> -> memref<68xf32, #tpu.memory_space<vmem>>
        %parallel_loop3A_212 = tpu.vector_load_idx %parallel_loop3A_211[%parallel_loop3A_99] : memref<68xf32, #tpu.memory_space<vmem>>[vector<16xi32>], vector<16xf32>,
        %parallel_loop3A_213 = arith.constant 16 : i32
        %parallel_loop3A_214 = arith.muli %parallel_loop3A_93, %parallel_loop3A_213 : i32
        %parallel_loop3A_215 = arith.constant 10 : i32
        %parallel_loop3A_216 = arith.constant 0 : i32
        %parallel_loop3A_217 = arith.index_cast %parallel_loop3A_215 : i32 to index
        %parallel_loop3A_218 = arith.index_cast %parallel_loop3A_216 : i32 to index
        %parallel_loop3A_219 = arith.index_cast %parallel_loop3A_214 : i32 to index
        %parallel_loop3A_220 = tpu.vector_load %arg8[%parallel_loop3A_217, %parallel_loop3A_218, %parallel_loop3A_219] {strides = array<i32>} : memref<16x1x2048xf32, #tpu.memory_space<vmem>>, vector<16xf32>,
        tpu.vector_store %arg8[%parallel_loop3A_217, %parallel_loop3A_218, %parallel_loop3A_219], %parallel_loop3A_212 {strides = array<i32>} : memref<16x1x2048xf32, #tpu.memory_space<vmem>>, vector<16xf32>,
        %parallel_loop3A_221 = arith.constant 792 : i32
        %parallel_loop3A_222 = tpu.memref_slice %arg5[%parallel_loop3A_221] : memref<1152xf32, #tpu.memory_space<vmem>> -> memref<68xf32, #tpu.memory_space<vmem>>
        %parallel_loop3A_223 = tpu.vector_load_idx %parallel_loop3A_222[%parallel_loop3A_99] : memref<68xf32, #tpu.memory_space<vmem>>[vector<16xi32>], vector<16xf32>,
        %parallel_loop3A_224 = arith.constant 16 : i32
        %parallel_loop3A_225 = arith.muli %parallel_loop3A_93, %parallel_loop3A_224 : i32
        %parallel_loop3A_226 = arith.constant 11 : i32
        %parallel_loop3A_227 = arith.constant 0 : i32
        %parallel_loop3A_228 = arith.index_cast %parallel_loop3A_226 : i32 to index
        %parallel_loop3A_229 = arith.index_cast %parallel_loop3A_227 : i32 to index
        %parallel_loop3A_230 = arith.index_cast %parallel_loop3A_225 : i32 to index
        %parallel_loop3A_231 = tpu.vector_load %arg8[%parallel_loop3A_228, %parallel_loop3A_229, %parallel_loop3A_230] {strides = array<i32>} : memref<16x1x2048xf32, #tpu.memory_space<vmem>>, vector<16xf32>,
        tpu.vector_store %arg8[%parallel_loop3A_228, %parallel_loop3A_229, %parallel_loop3A_230], %parallel_loop3A_223 {strides = array<i32>} : memref<16x1x2048xf32, #tpu.memory_space<vmem>>, vector<16xf32>,
        %parallel_loop3A_232 = arith.constant 864 : i32
        %parallel_loop3A_233 = tpu.memref_slice %arg5[%parallel_loop3A_232] : memref<1152xf32, #tpu.memory_space<vmem>> -> memref<68xf32, #tpu.memory_space<vmem>>
        %parallel_loop3A_234 = tpu.vector_load_idx %parallel_loop3A_233[%parallel_loop3A_99] : memref<68xf32, #tpu.memory_space<vmem>>[vector<16xi32>], vector<16xf32>,
        %parallel_loop3A_235 = arith.constant 16 : i32
        %parallel_loop3A_236 = arith.muli %parallel_loop3A_93, %parallel_loop3A_235 : i32
        %parallel_loop3A_237 = arith.constant 12 : i32
        %parallel_loop3A_238 = arith.constant 0 : i32
        %parallel_loop3A_239 = arith.index_cast %parallel_loop3A_237 : i32 to index
        %parallel_loop3A_240 = arith.index_cast %parallel_loop3A_238 : i32 to index
        %parallel_loop3A_241 = arith.index_cast %parallel_loop3A_236 : i32 to index
        %parallel_loop3A_242 = tpu.vector_load %arg8[%parallel_loop3A_239, %parallel_loop3A_240, %parallel_loop3A_241] {strides = array<i32>} : memref<16x1x2048xf32, #tpu.memory_space<vmem>>, vector<16xf32>,
        tpu.vector_store %arg8[%parallel_loop3A_239, %parallel_loop3A_240, %parallel_loop3A_241], %parallel_loop3A_234 {strides = array<i32>} : memref<16x1x2048xf32, #tpu.memory_space<vmem>>, vector<16xf32>,
        %parallel_loop3A_243 = arith.constant 936 : i32
        %parallel_loop3A_244 = tpu.memref_slice %arg5[%parallel_loop3A_243] : memref<1152xf32, #tpu.memory_space<vmem>> -> memref<68xf32, #tpu.memory_space<vmem>>
        %parallel_loop3A_245 = tpu.vector_load_idx %parallel_loop3A_244[%parallel_loop3A_99] : memref<68xf32, #tpu.memory_space<vmem>>[vector<16xi32>], vector<16xf32>,
        %parallel_loop3A_246 = arith.constant 16 : i32
        %parallel_loop3A_247 = arith.muli %parallel_loop3A_93, %parallel_loop3A_246 : i32
        %parallel_loop3A_248 = arith.constant 13 : i32
        %parallel_loop3A_249 = arith.constant 0 : i32
        %parallel_loop3A_250 = arith.index_cast %parallel_loop3A_248 : i32 to index
        %parallel_loop3A_251 = arith.index_cast %parallel_loop3A_249 : i32 to index
        %parallel_loop3A_252 = arith.index_cast %parallel_loop3A_247 : i32 to index
        %parallel_loop3A_253 = tpu.vector_load %arg8[%parallel_loop3A_250, %parallel_loop3A_251, %parallel_loop3A_252] {strides = array<i32>} : memref<16x1x2048xf32, #tpu.memory_space<vmem>>, vector<16xf32>,
        tpu.vector_store %arg8[%parallel_loop3A_250, %parallel_loop3A_251, %parallel_loop3A_252], %parallel_loop3A_245 {strides = array<i32>} : memref<16x1x2048xf32, #tpu.memory_space<vmem>>, vector<16xf32>,
        %parallel_loop3A_254 = arith.constant 1008 : i32
        %parallel_loop3A_255 = tpu.memref_slice %arg5[%parallel_loop3A_254] : memref<1152xf32, #tpu.memory_space<vmem>> -> memref<68xf32, #tpu.memory_space<vmem>>
        %parallel_loop3A_256 = tpu.vector_load_idx %parallel_loop3A_255[%parallel_loop3A_99] : memref<68xf32, #tpu.memory_space<vmem>>[vector<16xi32>], vector<16xf32>,
        %parallel_loop3A_257 = arith.constant 16 : i32
        %parallel_loop3A_258 = arith.muli %parallel_loop3A_93, %parallel_loop3A_257 : i32
        %parallel_loop3A_259 = arith.constant 14 : i32
        %parallel_loop3A_260 = arith.constant 0 : i32
        %parallel_loop3A_261 = arith.index_cast %parallel_loop3A_259 : i32 to index
        %parallel_loop3A_262 = arith.index_cast %parallel_loop3A_260 : i32 to index
        %parallel_loop3A_263 = arith.index_cast %parallel_loop3A_258 : i32 to index
        %parallel_loop3A_264 = tpu.vector_load %arg8[%parallel_loop3A_261, %parallel_loop3A_262, %parallel_loop3A_263] {strides = array<i32>} : memref<16x1x2048xf32, #tpu.memory_space<vmem>>, vector<16xf32>,
        tpu.vector_store %arg8[%parallel_loop3A_261, %parallel_loop3A_262, %parallel_loop3A_263], %parallel_loop3A_256 {strides = array<i32>} : memref<16x1x2048xf32, #tpu.memory_space<vmem>>, vector<16xf32>,
        %parallel_loop3A_265 = arith.constant 1080 : i32
        %parallel_loop3A_266 = tpu.memref_slice %arg5[%parallel_loop3A_265] : memref<1152xf32, #tpu.memory_space<vmem>> -> memref<68xf32, #tpu.memory_space<vmem>>
        %parallel_loop3A_267 = tpu.vector_load_idx %parallel_loop3A_266[%parallel_loop3A_99] : memref<68xf32, #tpu.memory_space<vmem>>[vector<16xi32>], vector<16xf32>,
        %parallel_loop3A_268 = arith.constant 16 : i32
        %parallel_loop3A_269 = arith.muli %parallel_loop3A_93, %parallel_loop3A_268 : i32
        %parallel_loop3A_270 = arith.constant 15 : i32
        %parallel_loop3A_271 = arith.constant 0 : i32
        %parallel_loop3A_272 = arith.index_cast %parallel_loop3A_270 : i32 to index
        %parallel_loop3A_273 = arith.index_cast %parallel_loop3A_271 : i32 to index
        %parallel_loop3A_274 = arith.index_cast %parallel_loop3A_269 : i32 to index
        %parallel_loop3A_275 = tpu.vector_load %arg8[%parallel_loop3A_272, %parallel_loop3A_273, %parallel_loop3A_274] {strides = array<i32>} : memref<16x1x2048xf32, #tpu.memory_space<vmem>>, vector<16xf32>,
        tpu.vector_store %arg8[%parallel_loop3A_272, %parallel_loop3A_273, %parallel_loop3A_274], %parallel_loop3A_267 {strides = array<i32>} : memref<16x1x2048xf32, #tpu.memory_space<vmem>>, vector<16xf32>,
      } {sc.loop_unroll_factor = 4 : i64, sc.parallel_access}
      %add3A_51 = arith.constant 2 : i32
      %add3A_52 = arith.addi %add3A_39, %add3A_51 : i32
      %lt3A = arith.constant 64 : i32
      %lt3A_53 = arith.cmpi slt, %add3A_52, %lt3A : i32
      %convert_element_type3A_54 = arith.extui %lt3A_53 : i1 to i32
      %cond3A_55 = arith.constant 0 : i32
      %cond3A_56 = arith.cmpi ne, %convert_element_type3A_54, %cond3A_55 : i32
      scf.if %cond3A_56 {
        %add3A_93 = arith.constant 2 : i32
        %add3A_94 = arith.addi %add3A_40, %add3A_93 : i32
        %dma_start3A_95 = arith.constant 0 : i32
        %dma_start3A_96 = tpu.memref_slice %arg3[%add3A_94, %dma_start3A_95] : memref<2048x2048xi32, #tpu.memory_space<hbm>> -> memref<1x2048xi32, #tpu.memory_space<hbm>>
        %dma_start3A_97 = arith.constant 0 : i32
        %dma_start3A_98 = tpu.memref_slice %arg3[%add3A_94, %dma_start3A_97] : memref<2048x2048xi32, #tpu.memory_space<hbm>> -> memref<1x2048xi32, #tpu.memory_space<hbm>>
        tpu.enqueue_dma source(%dma_start3A_98 : memref<1x2048xi32, #tpu.memory_space<hbm>>) target(%arg6 : memref<1x2048xi32, #tpu.memory_space<vmem>>) target_semaphore(%arg10 : memref<!tpu.dma_semaphore, #tpu.memory_space<semaphore_mem>>)
      } else {
      }
      %dma_start3A_57 = arith.constant 0 : i32
      %dma_start3A_58 = arith.constant 0 : i32
      %dma_start3A_59 = tpu.memref_slice %arg4[%dma_start3A_57, %add3A_40, %dma_start3A_58] : memref<16x2048x2048xf32, #tpu.memory_space<hbm>> -> memref<16x1x2048xf32, #tpu.memory_space<hbm>>
      %dma_start3A_60 = arith.constant 0 : i32
      %dma_start3A_61 = arith.constant 0 : i32
      %dma_start3A_62 = tpu.memref_slice %arg4[%dma_start3A_60, %add3A_40, %dma_start3A_61] : memref<16x2048x2048xf32, #tpu.memory_space<hbm>> -> memref<16x1x2048xf32, #tpu.memory_space<hbm>>
      tpu.enqueue_dma source(%arg8 : memref<16x1x2048xf32, #tpu.memory_space<vmem>>) target(%dma_start3A_62 : memref<16x1x2048xf32, #tpu.memory_space<hbm>>) target_semaphore(%arg12 : memref<!tpu.dma_semaphore, #tpu.memory_space<semaphore_mem>>)
      %add3A_63 = arith.constant 1 : i32
      %add3A_64 = arith.addi %add3A_37, %add3A_63 : i32
      %add3A_65 = arith.addi %mul3A_2, %add3A_64 : i32
      %dma_wait3A_66 = arith.constant 0 : i32
      %dma_wait3A_67 = arith.constant 0 : i32
      %dma_wait3A_68 = tpu.memref_slice %arg3[%dma_wait3A_66, %dma_wait3A_67] : memref<2048x2048xi32, #tpu.memory_space<hbm>> -> memref<1x2048xi32, #tpu.memory_space<hbm>>
      %dma_wait3A_69 = arith.constant 0 : i32
      %dma_wait3A_70 = arith.constant 0 : i32
      %dma_wait3A_71 = tpu.memref_slice %arg3[%dma_wait3A_69, %dma_wait3A_70] : memref<2048x2048xi32, #tpu.memory_space<hbm>> -> memref<1x2048xi32, #tpu.memory_space<hbm>>
      tpu.wait_dma2 semaphore(%arg11 : memref<!tpu.dma_semaphore, #tpu.memory_space<semaphore_mem>>) src(%dma_wait3A_71 : memref<1x2048xi32, #tpu.memory_space<hbm>>) dst(%arg7 : memref<1x2048xi32, #tpu.memory_space<vmem>>)
      %ge3A_72 = arith.constant 2 : i32
      %ge3A_73 = arith.cmpi sge, %add3A_64, %ge3A_72 : i32
      %convert_element_type3A_74 = arith.extui %ge3A_73 : i1 to i32
      %cond3A_75 = arith.constant 0 : i32
      %cond3A_76 = arith.cmpi ne, %convert_element_type3A_74, %cond3A_75 : i32
      scf.if %cond3A_76 {
        %dma_wait3A_93 = arith.constant 0 : i32
        %dma_wait3A_94 = arith.constant 0 : i32
        %dma_wait3A_95 = arith.constant 0 : i32
        %dma_wait3A_96 = tpu.memref_slice %arg4[%dma_wait3A_93, %dma_wait3A_94, %dma_wait3A_95] : memref<16x2048x2048xf32, #tpu.memory_space<hbm>> -> memref<16x1x2048xf32, #tpu.memory_space<hbm>>
        %dma_wait3A_97 = arith.constant 0 : i32
        %dma_wait3A_98 = arith.constant 0 : i32
        %dma_wait3A_99 = arith.constant 0 : i32
        %dma_wait3A_100 = tpu.memref_slice %arg4[%dma_wait3A_97, %dma_wait3A_98, %dma_wait3A_99] : memref<16x2048x2048xf32, #tpu.memory_space<hbm>> -> memref<16x1x2048xf32, #tpu.memory_space<hbm>>
        tpu.wait_dma2 semaphore(%arg13 : memref<!tpu.dma_semaphore, #tpu.memory_space<semaphore_mem>>) src(%dma_wait3A_100 : memref<16x1x2048xf32, #tpu.memory_space<hbm>>) dst(%arg9 : memref<16x1x2048xf32, #tpu.memory_space<vmem>>)
      } else {
      }
      %parallel_loop3A_77 = arith.constant 0 : i32
      %parallel_loop3A_78 = arith.constant 128 : i32
      %parallel_loop3A_79 = arith.constant 1 : i32
      scf.for %parallel_loop3A_93 = %parallel_loop3A_77 to %parallel_loop3A_78 step %parallel_loop3A_79  : i32 {
        %parallel_loop3A_94 = arith.constant 16 : i32
        %parallel_loop3A_95 = arith.muli %parallel_loop3A_93, %parallel_loop3A_94 : i32
        %parallel_loop3A_96 = arith.constant 0 : i32
        %parallel_loop3A_97 = arith.index_cast %parallel_loop3A_96 : i32 to index
        %parallel_loop3A_98 = arith.index_cast %parallel_loop3A_95 : i32 to index
        %parallel_loop3A_99 = tpu.vector_load %arg7[%parallel_loop3A_97, %parallel_loop3A_98] {strides = array<i32>} : memref<1x2048xi32, #tpu.memory_space<vmem>>, vector<16xi32>,
        %parallel_loop3A_100 = arith.constant 0 : i32
        %parallel_loop3A_101 = tpu.memref_slice %arg5[%parallel_loop3A_100] : memref<1152xf32, #tpu.memory_space<vmem>> -> memref<68xf32, #tpu.memory_space<vmem>>
        %parallel_loop3A_102 = tpu.vector_load_idx %parallel_loop3A_101[%parallel_loop3A_99] : memref<68xf32, #tpu.memory_space<vmem>>[vector<16xi32>], vector<16xf32>,
        %parallel_loop3A_103 = arith.constant 16 : i32
        %parallel_loop3A_104 = arith.muli %parallel_loop3A_93, %parallel_loop3A_103 : i32
        %parallel_loop3A_105 = arith.constant 0 : i32
        %parallel_loop3A_106 = arith.constant 0 : i32
        %parallel_loop3A_107 = arith.index_cast %parallel_loop3A_105 : i32 to index
        %parallel_loop3A_108 = arith.index_cast %parallel_loop3A_106 : i32 to index
        %parallel_loop3A_109 = arith.index_cast %parallel_loop3A_104 : i32 to index
        %parallel_loop3A_110 = tpu.vector_load %arg9[%parallel_loop3A_107, %parallel_loop3A_108, %parallel_loop3A_109] {strides = array<i32>} : memref<16x1x2048xf32, #tpu.memory_space<vmem>>, vector<16xf32>,
        tpu.vector_store %arg9[%parallel_loop3A_107, %parallel_loop3A_108, %parallel_loop3A_109], %parallel_loop3A_102 {strides = array<i32>} : memref<16x1x2048xf32, #tpu.memory_space<vmem>>, vector<16xf32>,
        %parallel_loop3A_111 = arith.constant 72 : i32
        %parallel_loop3A_112 = tpu.memref_slice %arg5[%parallel_loop3A_111] : memref<1152xf32, #tpu.memory_space<vmem>> -> memref<68xf32, #tpu.memory_space<vmem>>
        %parallel_loop3A_113 = tpu.vector_load_idx %parallel_loop3A_112[%parallel_loop3A_99] : memref<68xf32, #tpu.memory_space<vmem>>[vector<16xi32>], vector<16xf32>,
        %parallel_loop3A_114 = arith.constant 16 : i32
        %parallel_loop3A_115 = arith.muli %parallel_loop3A_93, %parallel_loop3A_114 : i32
        %parallel_loop3A_116 = arith.constant 1 : i32
        %parallel_loop3A_117 = arith.constant 0 : i32
        %parallel_loop3A_118 = arith.index_cast %parallel_loop3A_116 : i32 to index
        %parallel_loop3A_119 = arith.index_cast %parallel_loop3A_117 : i32 to index
        %parallel_loop3A_120 = arith.index_cast %parallel_loop3A_115 : i32 to index
        %parallel_loop3A_121 = tpu.vector_load %arg9[%parallel_loop3A_118, %parallel_loop3A_119, %parallel_loop3A_120] {strides = array<i32>} : memref<16x1x2048xf32, #tpu.memory_space<vmem>>, vector<16xf32>,
        tpu.vector_store %arg9[%parallel_loop3A_118, %parallel_loop3A_119, %parallel_loop3A_120], %parallel_loop3A_113 {strides = array<i32>} : memref<16x1x2048xf32, #tpu.memory_space<vmem>>, vector<16xf32>,
        %parallel_loop3A_122 = arith.constant 144 : i32
        %parallel_loop3A_123 = tpu.memref_slice %arg5[%parallel_loop3A_122] : memref<1152xf32, #tpu.memory_space<vmem>> -> memref<68xf32, #tpu.memory_space<vmem>>
        %parallel_loop3A_124 = tpu.vector_load_idx %parallel_loop3A_123[%parallel_loop3A_99] : memref<68xf32, #tpu.memory_space<vmem>>[vector<16xi32>], vector<16xf32>,
        %parallel_loop3A_125 = arith.constant 16 : i32
        %parallel_loop3A_126 = arith.muli %parallel_loop3A_93, %parallel_loop3A_125 : i32
        %parallel_loop3A_127 = arith.constant 2 : i32
        %parallel_loop3A_128 = arith.constant 0 : i32
        %parallel_loop3A_129 = arith.index_cast %parallel_loop3A_127 : i32 to index
        %parallel_loop3A_130 = arith.index_cast %parallel_loop3A_128 : i32 to index
        %parallel_loop3A_131 = arith.index_cast %parallel_loop3A_126 : i32 to index
        %parallel_loop3A_132 = tpu.vector_load %arg9[%parallel_loop3A_129, %parallel_loop3A_130, %parallel_loop3A_131] {strides = array<i32>} : memref<16x1x2048xf32, #tpu.memory_space<vmem>>, vector<16xf32>,
        tpu.vector_store %arg9[%parallel_loop3A_129, %parallel_loop3A_130, %parallel_loop3A_131], %parallel_loop3A_124 {strides = array<i32>} : memref<16x1x2048xf32, #tpu.memory_space<vmem>>, vector<16xf32>,
        %parallel_loop3A_133 = arith.constant 216 : i32
        %parallel_loop3A_134 = tpu.memref_slice %arg5[%parallel_loop3A_133] : memref<1152xf32, #tpu.memory_space<vmem>> -> memref<68xf32, #tpu.memory_space<vmem>>
        %parallel_loop3A_135 = tpu.vector_load_idx %parallel_loop3A_134[%parallel_loop3A_99] : memref<68xf32, #tpu.memory_space<vmem>>[vector<16xi32>], vector<16xf32>,
        %parallel_loop3A_136 = arith.constant 16 : i32
        %parallel_loop3A_137 = arith.muli %parallel_loop3A_93, %parallel_loop3A_136 : i32
        %parallel_loop3A_138 = arith.constant 3 : i32
        %parallel_loop3A_139 = arith.constant 0 : i32
        %parallel_loop3A_140 = arith.index_cast %parallel_loop3A_138 : i32 to index
        %parallel_loop3A_141 = arith.index_cast %parallel_loop3A_139 : i32 to index
        %parallel_loop3A_142 = arith.index_cast %parallel_loop3A_137 : i32 to index
        %parallel_loop3A_143 = tpu.vector_load %arg9[%parallel_loop3A_140, %parallel_loop3A_141, %parallel_loop3A_142] {strides = array<i32>} : memref<16x1x2048xf32, #tpu.memory_space<vmem>>, vector<16xf32>,
        tpu.vector_store %arg9[%parallel_loop3A_140, %parallel_loop3A_141, %parallel_loop3A_142], %parallel_loop3A_135 {strides = array<i32>} : memref<16x1x2048xf32, #tpu.memory_space<vmem>>, vector<16xf32>,
        %parallel_loop3A_144 = arith.constant 288 : i32
        %parallel_loop3A_145 = tpu.memref_slice %arg5[%parallel_loop3A_144] : memref<1152xf32, #tpu.memory_space<vmem>> -> memref<68xf32, #tpu.memory_space<vmem>>
        %parallel_loop3A_146 = tpu.vector_load_idx %parallel_loop3A_145[%parallel_loop3A_99] : memref<68xf32, #tpu.memory_space<vmem>>[vector<16xi32>], vector<16xf32>,
        %parallel_loop3A_147 = arith.constant 16 : i32
        %parallel_loop3A_148 = arith.muli %parallel_loop3A_93, %parallel_loop3A_147 : i32
        %parallel_loop3A_149 = arith.constant 4 : i32
        %parallel_loop3A_150 = arith.constant 0 : i32
        %parallel_loop3A_151 = arith.index_cast %parallel_loop3A_149 : i32 to index
        %parallel_loop3A_152 = arith.index_cast %parallel_loop3A_150 : i32 to index
        %parallel_loop3A_153 = arith.index_cast %parallel_loop3A_148 : i32 to index
        %parallel_loop3A_154 = tpu.vector_load %arg9[%parallel_loop3A_151, %parallel_loop3A_152, %parallel_loop3A_153] {strides = array<i32>} : memref<16x1x2048xf32, #tpu.memory_space<vmem>>, vector<16xf32>,
        tpu.vector_store %arg9[%parallel_loop3A_151, %parallel_loop3A_152, %parallel_loop3A_153], %parallel_loop3A_146 {strides = array<i32>} : memref<16x1x2048xf32, #tpu.memory_space<vmem>>, vector<16xf32>,
        %parallel_loop3A_155 = arith.constant 360 : i32
        %parallel_loop3A_156 = tpu.memref_slice %arg5[%parallel_loop3A_155] : memref<1152xf32, #tpu.memory_space<vmem>> -> memref<68xf32, #tpu.memory_space<vmem>>
        %parallel_loop3A_157 = tpu.vector_load_idx %parallel_loop3A_156[%parallel_loop3A_99] : memref<68xf32, #tpu.memory_space<vmem>>[vector<16xi32>], vector<16xf32>,
        %parallel_loop3A_158 = arith.constant 16 : i32
        %parallel_loop3A_159 = arith.muli %parallel_loop3A_93, %parallel_loop3A_158 : i32
        %parallel_loop3A_160 = arith.constant 5 : i32
        %parallel_loop3A_161 = arith.constant 0 : i32
        %parallel_loop3A_162 = arith.index_cast %parallel_loop3A_160 : i32 to index
        %parallel_loop3A_163 = arith.index_cast %parallel_loop3A_161 : i32 to index
        %parallel_loop3A_164 = arith.index_cast %parallel_loop3A_159 : i32 to index
        %parallel_loop3A_165 = tpu.vector_load %arg9[%parallel_loop3A_162, %parallel_loop3A_163, %parallel_loop3A_164] {strides = array<i32>} : memref<16x1x2048xf32, #tpu.memory_space<vmem>>, vector<16xf32>,
        tpu.vector_store %arg9[%parallel_loop3A_162, %parallel_loop3A_163, %parallel_loop3A_164], %parallel_loop3A_157 {strides = array<i32>} : memref<16x1x2048xf32, #tpu.memory_space<vmem>>, vector<16xf32>,
        %parallel_loop3A_166 = arith.constant 432 : i32
        %parallel_loop3A_167 = tpu.memref_slice %arg5[%parallel_loop3A_166] : memref<1152xf32, #tpu.memory_space<vmem>> -> memref<68xf32, #tpu.memory_space<vmem>>
        %parallel_loop3A_168 = tpu.vector_load_idx %parallel_loop3A_167[%parallel_loop3A_99] : memref<68xf32, #tpu.memory_space<vmem>>[vector<16xi32>], vector<16xf32>,
        %parallel_loop3A_169 = arith.constant 16 : i32
        %parallel_loop3A_170 = arith.muli %parallel_loop3A_93, %parallel_loop3A_169 : i32
        %parallel_loop3A_171 = arith.constant 6 : i32
        %parallel_loop3A_172 = arith.constant 0 : i32
        %parallel_loop3A_173 = arith.index_cast %parallel_loop3A_171 : i32 to index
        %parallel_loop3A_174 = arith.index_cast %parallel_loop3A_172 : i32 to index
        %parallel_loop3A_175 = arith.index_cast %parallel_loop3A_170 : i32 to index
        %parallel_loop3A_176 = tpu.vector_load %arg9[%parallel_loop3A_173, %parallel_loop3A_174, %parallel_loop3A_175] {strides = array<i32>} : memref<16x1x2048xf32, #tpu.memory_space<vmem>>, vector<16xf32>,
        tpu.vector_store %arg9[%parallel_loop3A_173, %parallel_loop3A_174, %parallel_loop3A_175], %parallel_loop3A_168 {strides = array<i32>} : memref<16x1x2048xf32, #tpu.memory_space<vmem>>, vector<16xf32>,
        %parallel_loop3A_177 = arith.constant 504 : i32
        %parallel_loop3A_178 = tpu.memref_slice %arg5[%parallel_loop3A_177] : memref<1152xf32, #tpu.memory_space<vmem>> -> memref<68xf32, #tpu.memory_space<vmem>>
        %parallel_loop3A_179 = tpu.vector_load_idx %parallel_loop3A_178[%parallel_loop3A_99] : memref<68xf32, #tpu.memory_space<vmem>>[vector<16xi32>], vector<16xf32>,
        %parallel_loop3A_180 = arith.constant 16 : i32
        %parallel_loop3A_181 = arith.muli %parallel_loop3A_93, %parallel_loop3A_180 : i32
        %parallel_loop3A_182 = arith.constant 7 : i32
        %parallel_loop3A_183 = arith.constant 0 : i32
        %parallel_loop3A_184 = arith.index_cast %parallel_loop3A_182 : i32 to index
        %parallel_loop3A_185 = arith.index_cast %parallel_loop3A_183 : i32 to index
        %parallel_loop3A_186 = arith.index_cast %parallel_loop3A_181 : i32 to index
        %parallel_loop3A_187 = tpu.vector_load %arg9[%parallel_loop3A_184, %parallel_loop3A_185, %parallel_loop3A_186] {strides = array<i32>} : memref<16x1x2048xf32, #tpu.memory_space<vmem>>, vector<16xf32>,
        tpu.vector_store %arg9[%parallel_loop3A_184, %parallel_loop3A_185, %parallel_loop3A_186], %parallel_loop3A_179 {strides = array<i32>} : memref<16x1x2048xf32, #tpu.memory_space<vmem>>, vector<16xf32>,
        %parallel_loop3A_188 = arith.constant 576 : i32
        %parallel_loop3A_189 = tpu.memref_slice %arg5[%parallel_loop3A_188] : memref<1152xf32, #tpu.memory_space<vmem>> -> memref<68xf32, #tpu.memory_space<vmem>>
        %parallel_loop3A_190 = tpu.vector_load_idx %parallel_loop3A_189[%parallel_loop3A_99] : memref<68xf32, #tpu.memory_space<vmem>>[vector<16xi32>], vector<16xf32>,
        %parallel_loop3A_191 = arith.constant 16 : i32
        %parallel_loop3A_192 = arith.muli %parallel_loop3A_93, %parallel_loop3A_191 : i32
        %parallel_loop3A_193 = arith.constant 8 : i32
        %parallel_loop3A_194 = arith.constant 0 : i32
        %parallel_loop3A_195 = arith.index_cast %parallel_loop3A_193 : i32 to index
        %parallel_loop3A_196 = arith.index_cast %parallel_loop3A_194 : i32 to index
        %parallel_loop3A_197 = arith.index_cast %parallel_loop3A_192 : i32 to index
        %parallel_loop3A_198 = tpu.vector_load %arg9[%parallel_loop3A_195, %parallel_loop3A_196, %parallel_loop3A_197] {strides = array<i32>} : memref<16x1x2048xf32, #tpu.memory_space<vmem>>, vector<16xf32>,
        tpu.vector_store %arg9[%parallel_loop3A_195, %parallel_loop3A_196, %parallel_loop3A_197], %parallel_loop3A_190 {strides = array<i32>} : memref<16x1x2048xf32, #tpu.memory_space<vmem>>, vector<16xf32>,
        %parallel_loop3A_199 = arith.constant 648 : i32
        %parallel_loop3A_200 = tpu.memref_slice %arg5[%parallel_loop3A_199] : memref<1152xf32, #tpu.memory_space<vmem>> -> memref<68xf32, #tpu.memory_space<vmem>>
        %parallel_loop3A_201 = tpu.vector_load_idx %parallel_loop3A_200[%parallel_loop3A_99] : memref<68xf32, #tpu.memory_space<vmem>>[vector<16xi32>], vector<16xf32>,
        %parallel_loop3A_202 = arith.constant 16 : i32
        %parallel_loop3A_203 = arith.muli %parallel_loop3A_93, %parallel_loop3A_202 : i32
        %parallel_loop3A_204 = arith.constant 9 : i32
        %parallel_loop3A_205 = arith.constant 0 : i32
        %parallel_loop3A_206 = arith.index_cast %parallel_loop3A_204 : i32 to index
        %parallel_loop3A_207 = arith.index_cast %parallel_loop3A_205 : i32 to index
        %parallel_loop3A_208 = arith.index_cast %parallel_loop3A_203 : i32 to index
        %parallel_loop3A_209 = tpu.vector_load %arg9[%parallel_loop3A_206, %parallel_loop3A_207, %parallel_loop3A_208] {strides = array<i32>} : memref<16x1x2048xf32, #tpu.memory_space<vmem>>, vector<16xf32>,
        tpu.vector_store %arg9[%parallel_loop3A_206, %parallel_loop3A_207, %parallel_loop3A_208], %parallel_loop3A_201 {strides = array<i32>} : memref<16x1x2048xf32, #tpu.memory_space<vmem>>, vector<16xf32>,
        %parallel_loop3A_210 = arith.constant 720 : i32
        %parallel_loop3A_211 = tpu.memref_slice %arg5[%parallel_loop3A_210] : memref<1152xf32, #tpu.memory_space<vmem>> -> memref<68xf32, #tpu.memory_space<vmem>>
        %parallel_loop3A_212 = tpu.vector_load_idx %parallel_loop3A_211[%parallel_loop3A_99] : memref<68xf32, #tpu.memory_space<vmem>>[vector<16xi32>], vector<16xf32>,
        %parallel_loop3A_213 = arith.constant 16 : i32
        %parallel_loop3A_214 = arith.muli %parallel_loop3A_93, %parallel_loop3A_213 : i32
        %parallel_loop3A_215 = arith.constant 10 : i32
        %parallel_loop3A_216 = arith.constant 0 : i32
        %parallel_loop3A_217 = arith.index_cast %parallel_loop3A_215 : i32 to index
        %parallel_loop3A_218 = arith.index_cast %parallel_loop3A_216 : i32 to index
        %parallel_loop3A_219 = arith.index_cast %parallel_loop3A_214 : i32 to index
        %parallel_loop3A_220 = tpu.vector_load %arg9[%parallel_loop3A_217, %parallel_loop3A_218, %parallel_loop3A_219] {strides = array<i32>} : memref<16x1x2048xf32, #tpu.memory_space<vmem>>, vector<16xf32>,
        tpu.vector_store %arg9[%parallel_loop3A_217, %parallel_loop3A_218, %parallel_loop3A_219], %parallel_loop3A_212 {strides = array<i32>} : memref<16x1x2048xf32, #tpu.memory_space<vmem>>, vector<16xf32>,
        %parallel_loop3A_221 = arith.constant 792 : i32
        %parallel_loop3A_222 = tpu.memref_slice %arg5[%parallel_loop3A_221] : memref<1152xf32, #tpu.memory_space<vmem>> -> memref<68xf32, #tpu.memory_space<vmem>>
        %parallel_loop3A_223 = tpu.vector_load_idx %parallel_loop3A_222[%parallel_loop3A_99] : memref<68xf32, #tpu.memory_space<vmem>>[vector<16xi32>], vector<16xf32>,
        %parallel_loop3A_224 = arith.constant 16 : i32
        %parallel_loop3A_225 = arith.muli %parallel_loop3A_93, %parallel_loop3A_224 : i32
        %parallel_loop3A_226 = arith.constant 11 : i32
        %parallel_loop3A_227 = arith.constant 0 : i32
        %parallel_loop3A_228 = arith.index_cast %parallel_loop3A_226 : i32 to index
        %parallel_loop3A_229 = arith.index_cast %parallel_loop3A_227 : i32 to index
        %parallel_loop3A_230 = arith.index_cast %parallel_loop3A_225 : i32 to index
        %parallel_loop3A_231 = tpu.vector_load %arg9[%parallel_loop3A_228, %parallel_loop3A_229, %parallel_loop3A_230] {strides = array<i32>} : memref<16x1x2048xf32, #tpu.memory_space<vmem>>, vector<16xf32>,
        tpu.vector_store %arg9[%parallel_loop3A_228, %parallel_loop3A_229, %parallel_loop3A_230], %parallel_loop3A_223 {strides = array<i32>} : memref<16x1x2048xf32, #tpu.memory_space<vmem>>, vector<16xf32>,
        %parallel_loop3A_232 = arith.constant 864 : i32
        %parallel_loop3A_233 = tpu.memref_slice %arg5[%parallel_loop3A_232] : memref<1152xf32, #tpu.memory_space<vmem>> -> memref<68xf32, #tpu.memory_space<vmem>>
        %parallel_loop3A_234 = tpu.vector_load_idx %parallel_loop3A_233[%parallel_loop3A_99] : memref<68xf32, #tpu.memory_space<vmem>>[vector<16xi32>], vector<16xf32>,
        %parallel_loop3A_235 = arith.constant 16 : i32
        %parallel_loop3A_236 = arith.muli %parallel_loop3A_93, %parallel_loop3A_235 : i32
        %parallel_loop3A_237 = arith.constant 12 : i32
        %parallel_loop3A_238 = arith.constant 0 : i32
        %parallel_loop3A_239 = arith.index_cast %parallel_loop3A_237 : i32 to index
        %parallel_loop3A_240 = arith.index_cast %parallel_loop3A_238 : i32 to index
        %parallel_loop3A_241 = arith.index_cast %parallel_loop3A_236 : i32 to index
        %parallel_loop3A_242 = tpu.vector_load %arg9[%parallel_loop3A_239, %parallel_loop3A_240, %parallel_loop3A_241] {strides = array<i32>} : memref<16x1x2048xf32, #tpu.memory_space<vmem>>, vector<16xf32>,
        tpu.vector_store %arg9[%parallel_loop3A_239, %parallel_loop3A_240, %parallel_loop3A_241], %parallel_loop3A_234 {strides = array<i32>} : memref<16x1x2048xf32, #tpu.memory_space<vmem>>, vector<16xf32>,
        %parallel_loop3A_243 = arith.constant 936 : i32
        %parallel_loop3A_244 = tpu.memref_slice %arg5[%parallel_loop3A_243] : memref<1152xf32, #tpu.memory_space<vmem>> -> memref<68xf32, #tpu.memory_space<vmem>>
        %parallel_loop3A_245 = tpu.vector_load_idx %parallel_loop3A_244[%parallel_loop3A_99] : memref<68xf32, #tpu.memory_space<vmem>>[vector<16xi32>], vector<16xf32>,
        %parallel_loop3A_246 = arith.constant 16 : i32
        %parallel_loop3A_247 = arith.muli %parallel_loop3A_93, %parallel_loop3A_246 : i32
        %parallel_loop3A_248 = arith.constant 13 : i32
        %parallel_loop3A_249 = arith.constant 0 : i32
        %parallel_loop3A_250 = arith.index_cast %parallel_loop3A_248 : i32 to index
        %parallel_loop3A_251 = arith.index_cast %parallel_loop3A_249 : i32 to index
        %parallel_loop3A_252 = arith.index_cast %parallel_loop3A_247 : i32 to index
        %parallel_loop3A_253 = tpu.vector_load %arg9[%parallel_loop3A_250, %parallel_loop3A_251, %parallel_loop3A_252] {strides = array<i32>} : memref<16x1x2048xf32, #tpu.memory_space<vmem>>, vector<16xf32>,
        tpu.vector_store %arg9[%parallel_loop3A_250, %parallel_loop3A_251, %parallel_loop3A_252], %parallel_loop3A_245 {strides = array<i32>} : memref<16x1x2048xf32, #tpu.memory_space<vmem>>, vector<16xf32>,
        %parallel_loop3A_254 = arith.constant 1008 : i32
        %parallel_loop3A_255 = tpu.memref_slice %arg5[%parallel_loop3A_254] : memref<1152xf32, #tpu.memory_space<vmem>> -> memref<68xf32, #tpu.memory_space<vmem>>
        %parallel_loop3A_256 = tpu.vector_load_idx %parallel_loop3A_255[%parallel_loop3A_99] : memref<68xf32, #tpu.memory_space<vmem>>[vector<16xi32>], vector<16xf32>,
        %parallel_loop3A_257 = arith.constant 16 : i32
        %parallel_loop3A_258 = arith.muli %parallel_loop3A_93, %parallel_loop3A_257 : i32
        %parallel_loop3A_259 = arith.constant 14 : i32
        %parallel_loop3A_260 = arith.constant 0 : i32
        %parallel_loop3A_261 = arith.index_cast %parallel_loop3A_259 : i32 to index
        %parallel_loop3A_262 = arith.index_cast %parallel_loop3A_260 : i32 to index
        %parallel_loop3A_263 = arith.index_cast %parallel_loop3A_258 : i32 to index
        %parallel_loop3A_264 = tpu.vector_load %arg9[%parallel_loop3A_261, %parallel_loop3A_262, %parallel_loop3A_263] {strides = array<i32>} : memref<16x1x2048xf32, #tpu.memory_space<vmem>>, vector<16xf32>,
        tpu.vector_store %arg9[%parallel_loop3A_261, %parallel_loop3A_262, %parallel_loop3A_263], %parallel_loop3A_256 {strides = array<i32>} : memref<16x1x2048xf32, #tpu.memory_space<vmem>>, vector<16xf32>,
        %parallel_loop3A_265 = arith.constant 1080 : i32
        %parallel_loop3A_266 = tpu.memref_slice %arg5[%parallel_loop3A_265] : memref<1152xf32, #tpu.memory_space<vmem>> -> memref<68xf32, #tpu.memory_space<vmem>>
        %parallel_loop3A_267 = tpu.vector_load_idx %parallel_loop3A_266[%parallel_loop3A_99] : memref<68xf32, #tpu.memory_space<vmem>>[vector<16xi32>], vector<16xf32>,
        %parallel_loop3A_268 = arith.constant 16 : i32
        %parallel_loop3A_269 = arith.muli %parallel_loop3A_93, %parallel_loop3A_268 : i32
        %parallel_loop3A_270 = arith.constant 15 : i32
        %parallel_loop3A_271 = arith.constant 0 : i32
        %parallel_loop3A_272 = arith.index_cast %parallel_loop3A_270 : i32 to index
        %parallel_loop3A_273 = arith.index_cast %parallel_loop3A_271 : i32 to index
        %parallel_loop3A_274 = arith.index_cast %parallel_loop3A_269 : i32 to index
        %parallel_loop3A_275 = tpu.vector_load %arg9[%parallel_loop3A_272, %parallel_loop3A_273, %parallel_loop3A_274] {strides = array<i32>} : memref<16x1x2048xf32, #tpu.memory_space<vmem>>, vector<16xf32>,
        tpu.vector_store %arg9[%parallel_loop3A_272, %parallel_loop3A_273, %parallel_loop3A_274], %parallel_loop3A_267 {strides = array<i32>} : memref<16x1x2048xf32, #tpu.memory_space<vmem>>, vector<16xf32>,
      } {sc.loop_unroll_factor = 4 : i64, sc.parallel_access}
      %add3A_80 = arith.constant 2 : i32
      %add3A_81 = arith.addi %add3A_64, %add3A_80 : i32
      %lt3A_82 = arith.constant 64 : i32
      %lt3A_83 = arith.cmpi slt, %add3A_81, %lt3A_82 : i32
      %convert_element_type3A_84 = arith.extui %lt3A_83 : i1 to i32
      %cond3A_85 = arith.constant 0 : i32
      %cond3A_86 = arith.cmpi ne, %convert_element_type3A_84, %cond3A_85 : i32
      scf.if %cond3A_86 {
        %add3A_93 = arith.constant 2 : i32
        %add3A_94 = arith.addi %add3A_65, %add3A_93 : i32
        %dma_start3A_95 = arith.constant 0 : i32
        %dma_start3A_96 = tpu.memref_slice %arg3[%add3A_94, %dma_start3A_95] : memref<2048x2048xi32, #tpu.memory_space<hbm>> -> memref<1x2048xi32, #tpu.memory_space<hbm>>
        %dma_start3A_97 = arith.constant 0 : i32
        %dma_start3A_98 = tpu.memref_slice %arg3[%add3A_94, %dma_start3A_97] : memref<2048x2048xi32, #tpu.memory_space<hbm>> -> memref<1x2048xi32, #tpu.memory_space<hbm>>
        tpu.enqueue_dma source(%dma_start3A_98 : memref<1x2048xi32, #tpu.memory_space<hbm>>) target(%arg7 : memref<1x2048xi32, #tpu.memory_space<vmem>>) target_semaphore(%arg11 : memref<!tpu.dma_semaphore, #tpu.memory_space<semaphore_mem>>)
      } else {
      }
      %dma_start3A_87 = arith.constant 0 : i32
      %dma_start3A_88 = arith.constant 0 : i32
      %dma_start3A_89 = tpu.memref_slice %arg4[%dma_start3A_87, %add3A_65, %dma_start3A_88] : memref<16x2048x2048xf32, #tpu.memory_space<hbm>> -> memref<16x1x2048xf32, #tpu.memory_space<hbm>>
      %dma_start3A_90 = arith.constant 0 : i32
      %dma_start3A_91 = arith.constant 0 : i32
      %dma_start3A_92 = tpu.memref_slice %arg4[%dma_start3A_90, %add3A_65, %dma_start3A_91] : memref<16x2048x2048xf32, #tpu.memory_space<hbm>> -> memref<16x1x2048xf32, #tpu.memory_space<hbm>>
      tpu.enqueue_dma source(%arg9 : memref<16x1x2048xf32, #tpu.memory_space<vmem>>) target(%dma_start3A_92 : memref<16x1x2048xf32, #tpu.memory_space<hbm>>) target_semaphore(%arg13 : memref<!tpu.dma_semaphore, #tpu.memory_space<semaphore_mem>>)
    }
    %scan3A_17 = arith.constant 32 : i32
    %dma_wait3A = arith.constant 0 : i32
    %dma_wait3A_18 = arith.constant 0 : i32
    %dma_wait3A_19 = arith.constant 0 : i32
    %dma_wait3A_20 = tpu.memref_slice %arg4[%dma_wait3A, %dma_wait3A_18, %dma_wait3A_19] : memref<16x2048x2048xf32, #tpu.memory_space<hbm>> -> memref<16x1x2048xf32, #tpu.memory_space<hbm>>
    %dma_wait3A_21 = arith.constant 0 : i32
    %dma_wait3A_22 = arith.constant 0 : i32
    %dma_wait3A_23 = arith.constant 0 : i32
    %dma_wait3A_24 = tpu.memref_slice %arg4[%dma_wait3A_21, %dma_wait3A_22, %dma_wait3A_23] : memref<16x2048x2048xf32, #tpu.memory_space<hbm>> -> memref<16x1x2048xf32, #tpu.memory_space<hbm>>
    tpu.wait_dma2 semaphore(%arg12 : memref<!tpu.dma_semaphore, #tpu.memory_space<semaphore_mem>>) src(%dma_wait3A_24 : memref<16x1x2048xf32, #tpu.memory_space<hbm>>) dst(%arg8 : memref<16x1x2048xf32, #tpu.memory_space<vmem>>)
    %dma_wait3A_25 = arith.constant 0 : i32
    %dma_wait3A_26 = arith.constant 0 : i32
    %dma_wait3A_27 = arith.constant 0 : i32
    %dma_wait3A_28 = tpu.memref_slice %arg4[%dma_wait3A_25, %dma_wait3A_26, %dma_wait3A_27] : memref<16x2048x2048xf32, #tpu.memory_space<hbm>> -> memref<16x1x2048xf32, #tpu.memory_space<hbm>>
    %dma_wait3A_29 = arith.constant 0 : i32
    %dma_wait3A_30 = arith.constant 0 : i32
    %dma_wait3A_31 = arith.constant 0 : i32
    %dma_wait3A_32 = tpu.memref_slice %arg4[%dma_wait3A_29, %dma_wait3A_30, %dma_wait3A_31] : memref<16x2048x2048xf32, #tpu.memory_space<hbm>> -> memref<16x1x2048xf32, #tpu.memory_space<hbm>>
    tpu.wait_dma2 semaphore(%arg13 : memref<!tpu.dma_semaphore, #tpu.memory_space<semaphore_mem>>) src(%dma_wait3A_32 : memref<16x1x2048xf32, #tpu.memory_space<hbm>>) dst(%arg9 : memref<16x1x2048xf32, #tpu.memory_space<vmem>>)
    return
  }
}

</mosaic_0001>

<sc_bundles>
// kernel: kernel.3.cloned.1.call-start
scs
__scs_entry_jumppad:
0x0: {  	(pc) =	sbr.rel $0x88, $3  }
0x1: {  	(tag) =	ssettag $0x0;
	lr =	simm.s32 $0x1  }
0x2: {  	[smem:$0x3F9F] =	sst lr;
	_ =	strace $0xD0000000  }
0x3: {  	_ = 	snop  }
0x4: {  	_ = 	snop  }
0x5: {  	_ = 	snop  }
0x6: {  	_ = 	snop  }
0x7: {  	_ = 	snop  }
__scs_overlays_trampoline_lowered:
0x8: {  	[smem:$0x3FAE] =	sst s0  }
0x9: {  	[smem:$0x3FAF] =	sst s1  }
0xa: {  	[smem:$0x3FB0] =	sst s2  }
0xb: {  	[smem:$0x3FB1] =	sst s3  }
0xc: {  	[smem:$0x3FB2] =	sst s4  }
0xd: {  	[smem:$0x3FB3] =	sst s5  }
0xe: {  	[smem:$0x3FB4] =	sst s6  }
0xf: {  	[smem:$0x3FB5] =	sst s7  }
0x10: {  	[smem:$0x3FB6] =	sst s8  }
0x11: {  	[smem:$0x3FB7] =	sst s9;
	s0 =	simm.s32 @!p0 $0x0  }
0x12: {  	s1 =	sld [smem:$0x3F9D];
	s0 =	simm.s32 @p0 $0x1  }
0x13: {  	[smem:$0x3FB8] =	sst s0;
	s0 =	simm.s32 @!p1 $0x0  }
0x14: {  	s2 =	sld [smem:$0x3F9C];
	s0 =	simm.s32 @p1 $0x1  }
0x15: {  	[smem:$0x3FB9] =	sst s0;
	s0 =	simm.s32 @!p2 $0x0  }
0x16: {  	s3 =	sld [smem:$0x3FDB];
	s0 =	simm.s32 @p2 $0x1  }
0x17: {  	s4 =	simm.s32 $0x1BF5;
	[smem:$0x3FBB] =	sst s0  }
0x18: {  	s0 =	sld [smem:$0x3F9E];
	_ =	swait.ge [sflag:s4], $0x0  }
0x19: {  	s7 =	sld [smem:$0x3F9F]  }
0x1a: {  	s8 =	sadd.s32 $0xFFFFE003, lr  }
0x1b: {  	s9 =	sadd.s32 $0xFFFFFEF7, lr;
	s5 =	simm.s32 $0xFFFFFFFF;
	p2 =	slt.u32 s8, $0xFFFFF086  }
0x1c: {  	p1 =	slt.u32 s9, $0xF7A;
	s5 =	simm.s32 @!p2 $0x0  }
0x1d: {  	s5 =	simm.s32 @p1 $0x1;
	p0 =	seq.s32 s7, s2  }
0x1e: {  	s7 =	smul.u32 @!p0 $0xF7A, s2;
	p2 =	seq.s32 @!p0 s5, $0x0  }
0x1f: {  	s9 =	smul.u32 $0xF7A, s1;
	s8 =	simm.s32 @!p0 $0x1BF5;
	p2 =	por !p2, p0  }
0x20: {  	[sflag:s8] =	ssyncset.s32 @!p0 $0xFFFFF086;
	s6 =	sadd.s32 @!p0 s3, s7;
	s7 =	simm.s32 @!p0 $0x108  }
0x21: {  	s3 =	sadd.s32 s3, s9;
	s6 =	sadd.s32 @!p0 $0x88, s6;
	s7 =	simm.s32 @p2 $0x1082  }
0x22: {  	[simem:s7], [sflag:s8] =	dma.local @!p0 [hbm:s6], $0xF7A  }
0x23: {  	s9 =	sor.u32 $0xD0000000, s2;
	s6 =	simm.s32 $0x108;
	_ =	swait.ge @!p0 [sflag:s8], $0x0  }
0x24: {  	s3 =	sadd.s32 $0x88, s3;
	s6 =	simm.s32 @!p1 $0x1082;
	[sflag:s4] =	ssyncset.s32 $0xFFFFF086  }
0x25: {  	[simem:s6], [sflag:s4] =	dma.local [hbm:s3], $0xF7A  }
0x26: {  	[smem:$0x3F9F] =	sst s1;
	(tag) =	ssettag s2;
	_ =	strace s9  }
0x27: {  	s1 =	sld [smem:$0x3FAF]  }
0x28: {  	s2 =	sld [smem:$0x3FB0]  }
0x29: {  	s4 =	sld [smem:$0x3FB2]  }
0x2a: {  	p0 =	seq.s32 s5, $0x0;
	s5 =	sld [smem:$0x3FB3]  }
0x2b: {  	s6 =	sld [smem:$0x3FB4]  }
0x2c: {  	s7 =	sld [smem:$0x3FB5]  }
0x2d: {  	s3 =	simm.s32 $0x108;
	s8 =	sld [smem:$0x3FB6]  }
0x2e: {  	s3 =	simm.s32 @!p0 $0x1082;
	s9 =	sld [smem:$0x3FB7]  }
0x2f: {  	lr =	sadd.s32 s0, s3;
	s0 =	sld [smem:$0x3FAE]  }
0x30: {  	s3 =	sld [smem:$0x3FB1]  }
0x31: {  	[smem:$0x3FBA] =	sst s10  }
0x32: {  	s10 =	sld [smem:$0x3FB8];
	_ =	sdelay $0x3  }
0x33: {  	p0 =	seq.s32 s10, $0x1;
	s10 =	sld [smem:$0x3FBA];
	_ =	sdelay $0x3  }
0x34: {  	[smem:$0x3FBA] =	sst s10  }
0x35: {  	s10 =	sld [smem:$0x3FB9];
	_ =	sdelay $0x3  }
0x36: {  	p1 =	seq.s32 s10, $0x1;
	s10 =	sld [smem:$0x3FBA];
	_ =	sdelay $0x3  }
0x37: {  	[smem:$0x3FBA] =	sst s10  }
0x38: {  	s10 =	sld [smem:$0x3FBB]  }
0x39: {  	_ = 	snop;
	(pc) =	sbr.ind lr, $3  }
0x3a: {  	_ = 	snop  }
0x3b: {  	_ = 	snop  }
0x3c: {  	p2 =	seq.s32 s10, $0x1;
	s10 =	sld [smem:$0x3FBA]  }
0x3d: {  	_ =	shalt  }
0x3e: {  	_ =	shalt  }
0x3f: {  	_ =	shalt  }
0x40: {  	_ =	shalt  }
0x41: {  	_ =	shalt  }
0x42: {  	_ =	shalt  }
0x43: {  	_ =	shalt  }
0x44: {  	_ =	shalt  }
0x45: {  	_ =	shalt  }
0x46: {  	_ =	shalt  }
0x47: {  	_ =	shalt  }
0x48: {  	_ =	shalt  }
0x49: {  	_ =	shalt  }
0x4a: {  	_ =	shalt  }
0x4b: {  	_ =	shalt  }
0x4c: {  	_ =	shalt  }
0x4d: {  	_ =	shalt  }
0x4e: {  	_ =	shalt  }
0x4f: {  	_ =	shalt  }
0x50: {  	_ =	shalt  }
0x51: {  	_ =	shalt  }
0x52: {  	_ =	shalt  }
0x53: {  	_ =	shalt  }
0x54: {  	_ =	shalt  }
0x55: {  	_ =	shalt  }
0x56: {  	_ =	shalt  }
0x57: {  	_ =	shalt  }
0x58: {  	_ =	shalt  }
0x59: {  	_ =	shalt  }
0x5a: {  	_ =	shalt  }
0x5b: {  	_ =	shalt  }
0x5c: {  	_ =	shalt  }
0x5d: {  	_ =	shalt  }
0x5e: {  	_ =	shalt  }
0x5f: {  	_ =	shalt  }
0x60: {  	_ =	shalt  }
0x61: {  	_ =	shalt  }
0x62: {  	_ =	shalt  }
0x63: {  	_ =	shalt  }
0x64: {  	_ =	shalt  }
0x65: {  	_ =	shalt  }
0x66: {  	_ =	shalt  }
0x67: {  	_ =	shalt  }
0x68: {  	_ =	shalt  }
0x69: {  	_ =	shalt  }
0x6a: {  	_ =	shalt  }
0x6b: {  	_ =	shalt  }
0x6c: {  	_ =	shalt  }
0x6d: {  	_ =	shalt  }
0x6e: {  	_ =	shalt  }
0x6f: {  	_ =	shalt  }
0x70: {  	_ =	shalt  }
0x71: {  	_ =	shalt  }
0x72: {  	_ =	shalt  }
0x73: {  	_ =	shalt  }
0x74: {  	_ =	shalt  }
0x75: {  	_ =	shalt  }
0x76: {  	_ =	shalt  }
0x77: {  	_ =	shalt  }
0x78: {  	_ =	shalt  }
0x79: {  	_ =	shalt  }
0x7a: {  	_ =	shalt  }
0x7b: {  	_ =	shalt  }
0x7c: {  	_ =	shalt  }
0x7d: {  	_ =	shalt  }
0x7e: {  	_ =	shalt  }
0x7f: {  	_ =	shalt  }
0x80: {  	_ =	shalt  }
0x81: {  	_ =	shalt  }
0x82: {  	_ =	shalt  }
0x83: {  	_ =	shalt  }
0x84: {  	_ =	shalt  }
0x85: {  	_ =	shalt  }
0x86: {  	_ =	shalt  }
0x87: {  	_ =	shalt  }
.Lfunc_end0:
.L_simem_size_0:
called_computation_lowered:
.L_overlay_start_0:
0x88: {  	s2 =	sld [smem:$0x3FD9]  }
0x89: {  	s3 =	sld [smem:$0x3FFE];
	_ =	sdelay $0x1  }
0x8a: {  	s1 =	srdreg.scid  }
0x8b: {  	s0 =	sand.u32 $0x1, s1  }
0x8c: {  	s17 =	sshll.u32 s0, $0xA;
	s2 =	sadd.s32 s3, s2  }
0x8d: {  	s2 =	sadd.s32 s2, s17  }
0x8e: {  	[smem:$0x3FC6] =	sst s2  }
0x8f: {  	_ = 	snop  }
0x90: {  	s2 =	sld [smem:$0x3FC9]  }
0x91: {  	s18 =	sld [smem:$0x3FD0];
	(tm) =	ssettm $0x1  }
0x92: {  	s4 =	sld [smem:$0x3FFB];
	_ =	sdelay $0x3  }
0x93: {  	_ =	strace s4  }
0x94: {  	s4 =	sld [smem:$0x3FFC];
	_ =	sdelay $0x3  }
0x95: {  	_ =	strace s4  }
0x96: {  	s4 =	sld [smem:$0x3FFD];
	_ =	sdelay $0x3  }
0x97: {  	_ =	strace s4  }
0x98: {  	_ =	strace $0x8FFFFFFF  }
0x99: {  	s19 =	sld [smem:$0x3FDB];
	_ =	sdelay $0x1  }
0x9a: {  	s5 =	simm.s32 $_scs_section_size  }
0x9b: {  	s6 =	simm.s32 $_size__tile_overlayer_lowered;
	s7 =	simm.s32 $_tile_overlayer_lowered  }
0x9c: {  	s22 =	simm.s32 $0x1BFF;
	s21 =	sshll.u32 s7, $0x1;
	s4 =	sadd.s32 s5, s19  }
0x9d: {  	s8 =	simm.s32 $0x0;
	s20 =	sshll.u32 s6, $0x1;
	s6 =	sadd.s32 s21, s4  }
0x9e: {  	[timem:s8], [sflag:s22] =	dma.local [hbm:s6], s20  }
0x9f: {  	_ =	swait.ge [sflag:s22], s20  }
0xa0: {  	s5 =	ssub.s32 $0x0, s20;
	[sflag:s22] =	ssyncset.done $0x0  }
0xa1: {  	[sflag:s22] =	ssyncadd.s32 s5;
	_ =	sdelay $0x1  }
0xa2: {  	s23 =	simm.s32 $0x1B8B  }
0xa3: {  	_ =	swait.ge [sflag:s23], $0x1  }
0xa4: {  	[sflag:s23] =	ssyncset.done $0x0  }
0xa5: {  	s25 =	simm.s32 $0x1B8E;
	s24 =	sld [smem:$0x3FFE];
	[sflag:s23] =	ssyncadd.s32 $0xFFFFFFFF  }
0xa6: {  	s26 =	simm.s32 $execute0_lowered;
	[smem:$0x3FD2] =	sst s25  }
0xa7: {  	s6 =	sshll.u32 s26, $0x1;
	_ =	strace $0x80000046;
	[dreg:$0x1] =	wrdreg $0xFFFFFFFF  }
0xa8: {  	s28 =	simm.s32 $_size_execute0_lowered;
	s4 =	sadd.s32 s4, s6;
	[dreg:$0x0] =	wrdreg $0x0  }
0xa9: {  	s6 =	sshll.u32 s28, $0x1;
	[dreg:$0x2] =	wrdreg s4  }
0xaa: {  	[dreg:$0x3] =	wrdreg s6  }
0xab: {  	[dreg:$0x4] =	wrdreg $0xC0  }
0xac: {  	_ =	task [dreg:s8], $0x5FFFF  }
0xad: {  	[dreg:$0x1] =	wrdreg $0xFFFFFFFF  }
0xae: {  	[dreg:$0x0] =	wrdreg $0x60  }
0xaf: {  	[dreg:$0x2] =	wrdreg s24  }
0xb0: {  	[dreg:$0x3] =	wrdreg s2  }
0xb1: {  	[dreg:$0x4] =	wrdreg s18  }
0xb2: {  	[dreg:$0x5] =	wrdreg $0x9  }
0xb3: {  	_ =	task.clear_ibuf [dreg:s8], $0x6FFFF;
	_ =	strace $0x90000046  }
0xb4: {  	s29 =	simm.s32 $0x9;
	_ =	strace $0x80000048  }
0xb5: {  	_ =	swait.ge [sflag:s29], $0x1  }
0xb6: {  	[sflag:s29] =	ssyncadd.s32 $0xFFFFFFFF  }
0xb7: {  	_ =	strace $0x90000048  }
0xb8: {  	_ =	sfence  }
0xb9: {  	s30 =	sld [smem:$0x0];
	_ =	sdelay $0x2  }
0xba: {  	s31 =	sshll.u32 s1, $0xD;
	s1 =	sshrl.u32 s1, $0x2  }
0xbb: {  	s3 =	sand.u32 $0x4000, s31;
	s1 =	sadd.s32 s1, s30  }
0xbc: {  	s0 =	sor.u32 s3, s0;
	s1 =	sshll.u32 s1, $0x11  }
0xbd: {  	s0 =	sor.u32 s1, s0  }
0xbe: {  	s0 =	sadd.s32 $0x8F2B, s0  }
0xbf: {  	[sflag:s0] =	ssyncadd.remote.s32 $0x1  }
0xc0: {  	_ =	sfence.sel $0xFFFF  }
0xc1: {  	[dreg:$0x0] =	wrdreg $0xFFFFFFFF;
	(pc) =	sbr.abs _section_cstart, $3  }
0xc2: {  	[dreg:$0x1] =	wrdreg $0xFFFFFFFF  }
0xc3: {  	_ =	task.clear_ibuf [dreg:s8], $0x2FFFF;
	_ =	strace $0x9FFFFFFF  }
0xc4: {  	(tm) =	ssettm $0x7FFFFFFF  }
0xc5: {  	_ =	shalt  }
tec
execute0_lowered:
.L_overlay_start_1:
0x0: {  	(tag) =	ssettag $0x1  }
0x1: {  	s0 =	rddreg [dreg:$0x0]  }
0x2: {  	s4 =	rddreg [dreg:$0x1];
	s1 =	srdreg.scid  }
0x3: {  	s2 =	stileid.u32;
	s23 =	simm.s32 $0x0;
	s18 =	simm.s32 $0x48  }
0x4: {  	s19 =	simm.s32 $0x90;
	s20 =	simm.s32 $0xD8;
	s21 =	simm.s32 $0x120  }
0x5: {  	s22 =	simm.s32 $0x168;
	s7 =	simm.s32 $0x1B0;
	s8 =	simm.s32 $0x1F8  }
0x6: {  	s17 =	simm.s32 $0x240;
	s28 =	simm.s32 $0x360;
	s29 =	simm.s32 $0x3A8  }
0x7: {  	s30 =	simm.s32 $0x3F0;
	s1 =	sand.u32 $0x1, s1;
	s2 =	sshll.u32 s2, $0x7  }
0x8: {  	[smem:$0x7FF] =	sst s23;
	s3 =	sshll.u32 s1, $0x6;
	s1 =	ssub.s32 $0x2, s1  }
0x9: {  	s0 =	sadd.s32 $0x400, s0;
	s3 =	sor.u32 s3, s2;
	s24 =	sshrl.u32 s1, $0x1  }
0xa: {  	[dreg:$0x4] =	wrdreg s3;
	s3 =	sshll.u32 s3, $0x8;
	s1 =	ssub.s32 s1, s24  }
0xb: {  	_ =	strace $0x80000047;
	s25 =	sadd.s32 s4, s3;
	[dreg:$0x6] =	wrdreg s0  }
0xc: {  	s2 =	simm.s32 $0x0;
	s31 =	smax.u32 s1, $0x1;
	[dreg:$0x5] =	wrdreg s25  }
0xd: {  	s24 =	simm.s32 $0x288;
	s26 =	sadd.s32 $0x10, s25;
	[dreg:$0x8] =	wrdreg s31  }
0xe: {  	s25 =	simm.s32 $0x2D0;
	[dreg:$0x7] =	wrdreg s26;
	s26 =	simm.s32 $0x318  }
.LBB2_1:
0xf: {  	[dreg:$0x9] =	wrdreg s2  }
0x10: {  	s0 =	rddreg [dreg:$0x6];
	s13 =	simm.s32 $0x5  }
0x11: {  	[tilespmem:s23], [sflag:$0x5] =	stream.linear.gather [hbm4b:s0+s23], $0x480, $0x38;
	[tilespmem:$0x11480] =	vst v63  }
0x12: {  	_ =	swait.ge [sflag:s13], $0x480  }
0x13: {  	s1 =	simm.s32 $0x80;
	s15 =	simm.s32 $0x400;
	[sflag:s13] =	ssyncset.done $0x0  }
0x14: {  	s3 =	simm.s32 $0x480;
	s14 =	rddreg [dreg:$0x5];
	[sflag:s13] =	ssyncadd.s32 $0xFFFFFB80  }
0x15: {  	[tilespmem:s3], [sflag:$0x1] =	stream.strided.gather [hbm4b:s14+s1], $0x800, s15, s1, $0x38;
	[tilespmem:$0x11480] =	vst v63  }
0x16: {  	s31 =	simm.s32 $0xC80;
	s16 =	rddreg [dreg:$0x7]  }
0x17: {  	[tilespmem:s31], [sflag:$0x2] =	stream.strided.gather [hbm4b:s16+s1], $0x800, s15, s1, $0x38;
	[tilespmem:$0x11480] =	vst v63  }
0x18: {  	s1 =	simm.s32 $0x0  }
.LBB2_2:
0x19: {  	s0 =	simm.s32 $0x1  }
0x1a: {  	_ =	swait.ge [sflag:s0], $0x800  }
0x1b: {  	p1 =	seq.s32 s1, $0x0;
	s31 =	smov.u32 s1;
	[sflag:s0] =	ssyncset.done $0x0  }
0x1c: {  	s15 =	simm.s32 $0x0;
	s1 =	simm.s32 @!p1 $0x3;
	[sflag:s0] =	ssyncadd.s32 $0xFFFFF800  }
0x1d: {  	s5 =	sand.u32 $0x40, s15;
	_ =	swait.ge @!p1 [sflag:s1], $0x8000  }
0x1e: {  	s10 =	sand.u32 $0x780, s15;
	s0 =	sor.u32 $0x30, s5;
	[sflag:s1] =	ssyncset.done @!p1 $0x0  }
0x1f: {  	s6 =	sor.u32 $0x10, s5;
	s16 =	sor.u32 s10, s0;
	[sflag:s1] =	ssyncadd.s32 @!p1 $0xFFFF8000  }
0x20: {  	s9 =	sor.u32 $0x20, s5;
	s2 =	sor.u32 s10, s6;
	v7 =	vld [tilespmem:s16+$0x480]  }
0x21: {  	s3 =	sor.u32 s10, s9;
	v2 =	vld [tilespmem:s2+$0x480]  }
0x22: {  	s4 =	simm.s32 $0x480;
	v1 =	vld [tilespmem:s3+$0x480]  }
0x23: {  	v0 =	vld [tilespmem:s4+$0x0];
	_ =	sdelay $0x4  }
0x24: {  	v3 =	vld.idx.msk [tilespmem:v7+s23+$0x0], $0xffff  }
0x25: {  	v4 =	vld.idx.msk [tilespmem:v2+s23+$0x0], $0xffff  }
0x26: {  	v5 =	vld.idx.msk [tilespmem:v1+s23+$0x0], $0xffff  }
0x27: {  	v6 =	vld.idx.msk [tilespmem:v0+s23+$0x0], $0xffff;
	_ =	sdelay $0x1  }
0x28: {  	[tilespmem:s16+$0x1480] =	vst v3  }
0x29: {  	[tilespmem:s2+$0x1480] =	vst v4;
	v3 =	vld.idx.msk [tilespmem:v7+s18+$0x0], $0xffff  }
0x2a: {  	s4 =	simm.s32 $0x1480;
	[tilespmem:s3+$0x1480] =	vst v5;
	v4 =	vld.idx.msk [tilespmem:v2+s18+$0x0], $0xffff  }
0x2b: {  	[tilespmem:s4+$0x0] =	vst v6;
	v5 =	vld.idx.msk [tilespmem:v1+s18+$0x0], $0xffff  }
0x2c: {  	s11 =	sadd.s32 $0x1C80, s10;
	v6 =	vld.idx.msk [tilespmem:v0+s18+$0x0], $0xffff  }
0x2d: {  	s12 =	sor.u32 s0, s11  }
0x2e: {  	s13 =	sor.u32 s6, s11;
	[tilespmem:s12+$0x0] =	vst v3  }
0x2f: {  	s14 =	sor.u32 s9, s11;
	[tilespmem:s13+$0x0] =	vst v4;
	v3 =	vld.idx.msk [tilespmem:v7+s19+$0x0], $0xffff  }
0x30: {  	s15 =	sor.u32 s5, s11;
	[tilespmem:s14+$0x0] =	vst v5;
	v4 =	vld.idx.msk [tilespmem:v2+s19+$0x0], $0xffff  }
0x31: {  	[tilespmem:s15+$0x0] =	vst v6;
	v5 =	vld.idx.msk [tilespmem:v1+s19+$0x0], $0xffff  }
0x32: {  	s16 =	sadd.s32 $0x2480, s10;
	v6 =	vld.idx.msk [tilespmem:v0+s19+$0x0], $0xffff  }
0x33: {  	s4 =	sor.u32 s0, s16  }
0x34: {  	s11 =	sor.u32 s6, s16;
	[tilespmem:s4+$0x0] =	vst v3  }
0x35: {  	s12 =	sor.u32 s9, s16;
	[tilespmem:s11+$0x0] =	vst v4;
	v3 =	vld.idx.msk [tilespmem:v7+s20+$0x0], $0xffff  }
0x36: {  	s13 =	sor.u32 s5, s16;
	[tilespmem:s12+$0x0] =	vst v5;
	v4 =	vld.idx.msk [tilespmem:v2+s20+$0x0], $0xffff  }
0x37: {  	[tilespmem:s13+$0x0] =	vst v6;
	v5 =	vld.idx.msk [tilespmem:v1+s20+$0x0], $0xffff  }
0x38: {  	s14 =	sadd.s32 $0x2C80, s10;
	v6 =	vld.idx.msk [tilespmem:v0+s20+$0x0], $0xffff  }
0x39: {  	s15 =	sor.u32 s0, s14  }
0x3a: {  	s16 =	sor.u32 s6, s14;
	[tilespmem:s15+$0x0] =	vst v3  }
0x3b: {  	s3 =	sor.u32 s9, s14;
	[tilespmem:s16+$0x0] =	vst v4;
	v3 =	vld.idx.msk [tilespmem:v7+s21+$0x0], $0xffff  }
0x3c: {  	s4 =	sor.u32 s5, s14;
	[tilespmem:s3+$0x0] =	vst v5;
	v4 =	vld.idx.msk [tilespmem:v2+s21+$0x0], $0xffff  }
0x3d: {  	[tilespmem:s4+$0x0] =	vst v6;
	v5 =	vld.idx.msk [tilespmem:v1+s21+$0x0], $0xffff  }
0x3e: {  	s11 =	sadd.s32 $0x3480, s10;
	v6 =	vld.idx.msk [tilespmem:v0+s21+$0x0], $0xffff  }
0x3f: {  	s12 =	sor.u32 s0, s11  }
0x40: {  	s13 =	sor.u32 s6, s11;
	[tilespmem:s12+$0x0] =	vst v3  }
0x41: {  	s14 =	sor.u32 s9, s11;
	[tilespmem:s13+$0x0] =	vst v4;
	v3 =	vld.idx.msk [tilespmem:v7+s22+$0x0], $0xffff  }
0x42: {  	s15 =	sor.u32 s5, s11;
	[tilespmem:s14+$0x0] =	vst v5;
	v4 =	vld.idx.msk [tilespmem:v2+s22+$0x0], $0xffff  }
0x43: {  	[tilespmem:s15+$0x0] =	vst v6;
	v5 =	vld.idx.msk [tilespmem:v1+s22+$0x0], $0xffff  }
0x44: {  	s16 =	sadd.s32 $0x3C80, s10;
	v6 =	vld.idx.msk [tilespmem:v0+s22+$0x0], $0xffff  }
0x45: {  	s3 =	sor.u32 s0, s16;
	s13 =	simm.s32 $0x4C0  }
0x46: {  	s4 =	sor.u32 s6, s16;
	[tilespmem:s3+$0x0] =	vst v3;
	v3 =	vld [tilespmem:s13+$0x0]  }
0x47: {  	s11 =	sor.u32 s9, s16;
	[tilespmem:s4+$0x0] =	vst v4;
	v4 =	vld.idx.msk [tilespmem:v7+s7+$0x0], $0xffff  }
0x48: {  	s12 =	sor.u32 s5, s16;
	[tilespmem:s11+$0x0] =	vst v5;
	v8 =	vld.idx.msk [tilespmem:v2+s7+$0x0], $0xffff  }
0x49: {  	[tilespmem:s12+$0x0] =	vst v6;
	v5 =	vld.idx.msk [tilespmem:v1+s7+$0x0], $0xffff  }
0x4a: {  	s14 =	sadd.s32 $0x4480, s10;
	v6 =	vld.idx.msk [tilespmem:v0+s7+$0x0], $0xffff  }
0x4b: {  	s15 =	sor.u32 s0, s14  }
0x4c: {  	s16 =	sor.u32 s6, s14;
	[tilespmem:s15+$0x0] =	vst v4  }
0x4d: {  	s2 =	sor.u32 s9, s14;
	[tilespmem:s16+$0x0] =	vst v8;
	v4 =	vld.idx.msk [tilespmem:v7+s8+$0x0], $0xffff  }
0x4e: {  	s4 =	sor.u32 s5, s14;
	[tilespmem:s2+$0x0] =	vst v5;
	s2 =	simm.s32 $0x40;
	v8 =	vld.idx.msk [tilespmem:v2+s8+$0x0], $0xffff  }
0x4f: {  	[tilespmem:s4+$0x0] =	vst v6;
	v5 =	vld.idx.msk [tilespmem:v1+s8+$0x0], $0xffff;
	s1 =	sand.u32 $0x40, s2  }
0x50: {  	s3 =	sadd.s32 $0x4C80, s10;
	v9 =	vld.idx.msk [tilespmem:v0+s8+$0x0], $0xffff;
	s13 =	sand.u32 $0x780, s2;
	s14 =	sor.u32 $0x30, s1  }
0x51: {  	s7 =	sor.u32 s0, s3;
	v11 =	vld.idx.msk [tilespmem:v3+s23+$0x0], $0xffff;
	s4 =	sor.u32 s13, s14  }
0x52: {  	s8 =	sor.u32 s6, s3;
	[tilespmem:s7+$0x0] =	vst v4;
	v4 =	vld [tilespmem:s4+$0x480]  }
0x53: {  	s11 =	sor.u32 s9, s3;
	[tilespmem:s8+$0x0] =	vst v8;
	v8 =	vld.idx.msk [tilespmem:v7+s17+$0x0], $0xffff  }
0x54: {  	[tilespmem:s11+$0x0] =	vst v5;
	s8 =	sor.u32 $0x10, s1;
	v10 =	vld.idx.msk [tilespmem:v2+s17+$0x0], $0xffff  }
0x55: {  	s7 =	sor.u32 $0x20, s1;
	v12 =	vld.idx.msk [tilespmem:v1+s17+$0x0], $0xffff;
	s11 =	sor.u32 s13, s8  }
0x56: {  	s12 =	sadd.s32 $0x5480, s10;
	s3 =	sor.u32 s5, s3;
	s15 =	sor.u32 s13, s7;
	v6 =	vld [tilespmem:s11+$0x480]  }
0x57: {  	s16 =	sor.u32 s0, s12;
	[tilespmem:s3+$0x0] =	vst v9;
	v5 =	vld [tilespmem:s15+$0x480]  }
0x58: {  	s3 =	sor.u32 s6, s12;
	v9 =	vld.idx.msk [tilespmem:v0+s17+$0x0], $0xffff;
	[tilespmem:s16+$0x0] =	vst v8  }
0x59: {  	s16 =	sor.u32 s9, s12;
	[tilespmem:s3+$0x0] =	vst v10;
	v8 =	vld.idx.msk [tilespmem:v7+s24+$0x0], $0xffff  }
0x5a: {  	s3 =	simm.s32 $0x14C0;
	v10 =	vld.idx.msk [tilespmem:v2+s24+$0x0], $0xffff;
	[tilespmem:s16+$0x0] =	vst v12  }
0x5b: {  	[tilespmem:s3+$0x0] =	vst v11;
	v11 =	vld.idx.msk [tilespmem:v1+s24+$0x0], $0xffff  }
0x5c: {  	v12 =	vld.idx.msk [tilespmem:v3+s18+$0x0], $0xffff  }
0x5d: {  	s12 =	sor.u32 s5, s12;
	s16 =	sadd.s32 $0x5C80, s10;
	v13 =	vld.idx.msk [tilespmem:v4+s23+$0x0], $0xffff  }
0x5e: {  	[tilespmem:s12+$0x0] =	vst v9;
	s17 =	sor.u32 s0, s16;
	v14 =	vld.idx.msk [tilespmem:v6+s23+$0x0], $0xffff  }
0x5f: {  	v9 =	vld.idx.msk [tilespmem:v5+s23+$0x0], $0xffff;
	[tilespmem:s17+$0x0] =	vst v8;
	s17 =	sor.u32 s6, s16  }
0x60: {  	s12 =	sor.u32 s9, s16;
	v8 =	vld.idx.msk [tilespmem:v7+s25+$0x0], $0xffff;
	[tilespmem:s17+$0x0] =	vst v10  }
0x61: {  	v10 =	vld.idx.msk [tilespmem:v0+s24+$0x0], $0xffff;
	[tilespmem:s12+$0x0] =	vst v11  }
0x62: {  	[tilespmem:s4+$0x1480] =	vst v13;
	v11 =	vld.idx.msk [tilespmem:v2+s25+$0x0], $0xffff  }
0x63: {  	s4 =	sadd.s32 $0x6480, s10;
	v13 =	vld.idx.msk [tilespmem:v1+s25+$0x0], $0xffff;
	[tilespmem:s11+$0x1480] =	vst v14  }
0x64: {  	s12 =	sor.u32 s0, s4;
	v14 =	vld.idx.msk [tilespmem:v4+s18+$0x0], $0xffff;
	[tilespmem:s15+$0x1480] =	vst v9  }
0x65: {  	s17 =	sor.u32 s5, s16;
	v15 =	vld.idx.msk [tilespmem:v6+s18+$0x0], $0xffff;
	[tilespmem:s12+$0x0] =	vst v8  }
0x66: {  	s24 =	sor.u32 s6, s4;
	v9 =	vld.idx.msk [tilespmem:v5+s18+$0x0], $0xffff;
	[tilespmem:s17+$0x0] =	vst v10  }
0x67: {  	s16 =	sadd.s32 $0x1C80, s13;
	s15 =	sor.u32 s9, s4;
	v8 =	vld.idx.msk [tilespmem:v7+s26+$0x0], $0xffff;
	[tilespmem:s24+$0x0] =	vst v11  }
0x68: {  	s17 =	sor.u32 s14, s16;
	v10 =	vld.idx.msk [tilespmem:v0+s25+$0x0], $0xffff;
	[tilespmem:s15+$0x0] =	vst v13  }
0x69: {  	s18 =	sor.u32 s8, s16;
	v11 =	vld.idx.msk [tilespmem:v2+s26+$0x0], $0xffff;
	[tilespmem:s17+$0x0] =	vst v14  }
0x6a: {  	s25 =	sor.u32 s7, s16;
	v13 =	vld.idx.msk [tilespmem:v1+s26+$0x0], $0xffff;
	[tilespmem:s18+$0x0] =	vst v15  }
0x6b: {  	s12 =	sadd.s32 $0x6C80, s10;
	s17 =	sor.u32 s1, s16;
	v14 =	vld.idx.msk [tilespmem:v4+s19+$0x0], $0xffff;
	[tilespmem:s25+$0x0] =	vst v9  }
0x6c: {  	s24 =	sor.u32 s0, s12;
	[tilespmem:s17+$0x0] =	vst v12;
	v15 =	vld.idx.msk [tilespmem:v6+s19+$0x0], $0xffff  }
0x6d: {  	s4 =	sor.u32 s5, s4;
	v9 =	vld.idx.msk [tilespmem:v5+s19+$0x0], $0xffff;
	[tilespmem:s24+$0x0] =	vst v8  }
0x6e: {  	s18 =	sor.u32 s6, s12;
	v12 =	vld.idx.msk [tilespmem:v3+s19+$0x0], $0xffff;
	s24 =	sadd.s32 $0x2480, s13;
	[tilespmem:s4+$0x0] =	vst v10  }
0x6f: {  	v8 =	vld.idx.msk [tilespmem:v7+s28+$0x0], $0xffff;
	s25 =	sor.u32 s14, s24;
	[tilespmem:s18+$0x0] =	vst v11;
	s16 =	sor.u32 s8, s24  }
0x70: {  	v10 =	vld.idx.msk [tilespmem:v0+s26+$0x0], $0xffff;
	s18 =	sor.u32 s7, s24;
	s19 =	sor.u32 s1, s24;
	s24 =	sor.u32 s9, s12;
	[tilespmem:s25+$0x0] =	vst v14  }
0x71: {  	v11 =	vld.idx.msk [tilespmem:v2+s28+$0x0], $0xffff;
	[tilespmem:s24+$0x0] =	vst v13  }
0x72: {  	[tilespmem:s16+$0x0] =	vst v15;
	v14 =	vld.idx.msk [tilespmem:v4+s20+$0x0], $0xffff  }
0x73: {  	s4 =	sadd.s32 $0x7480, s10;
	[tilespmem:s18+$0x0] =	vst v9;
	v15 =	vld.idx.msk [tilespmem:v6+s20+$0x0], $0xffff  }
0x74: {  	s17 =	sor.u32 s0, s4;
	[tilespmem:s19+$0x0] =	vst v12;
	v9 =	vld.idx.msk [tilespmem:v5+s20+$0x0], $0xffff  }
0x75: {  	s25 =	sor.u32 s5, s12;
	v12 =	vld.idx.msk [tilespmem:v3+s20+$0x0], $0xffff;
	[tilespmem:s17+$0x0] =	vst v8  }
0x76: {  	s26 =	sadd.s32 $0x2C80, s13;
	[tilespmem:s25+$0x0] =	vst v10;
	s25 =	sor.u32 s6, s4;
	v8 =	vld.idx.msk [tilespmem:v7+s29+$0x0], $0xffff  }
0x77: {  	s17 =	sor.u32 s14, s26;
	v10 =	vld.idx.msk [tilespmem:v1+s28+$0x0], $0xffff;
	[tilespmem:s25+$0x0] =	vst v11  }
0x78: {  	s18 =	sor.u32 s8, s26;
	v13 =	vld.idx.msk [tilespmem:v0+s28+$0x0], $0xffff;
	[tilespmem:s17+$0x0] =	vst v14  }
0x79: {  	s16 =	sadd.s32 $0x7C80, s10;
	s20 =	sor.u32 s7, s26;
	[tilespmem:s18+$0x0] =	vst v15;
	v14 =	vld.idx.msk [tilespmem:v4+s21+$0x0], $0xffff  }
0x7a: {  	s19 =	sor.u32 s0, s16;
	[tilespmem:s20+$0x0] =	vst v9;
	v15 =	vld.idx.msk [tilespmem:v6+s21+$0x0], $0xffff  }
0x7b: {  	s24 =	sor.u32 s1, s26;
	v17 =	vld.idx.msk [tilespmem:v2+s29+$0x0], $0xffff;
	[tilespmem:s19+$0x0] =	vst v8  }
0x7c: {  	s26 =	sor.u32 s9, s4;
	s28 =	sadd.s32 $0x3480, s13;
	[tilespmem:s24+$0x0] =	vst v12;
	v9 =	vld.idx.msk [tilespmem:v7+s30+$0x0], $0xffff  }
0x7d: {  	s18 =	sor.u32 s14, s28;
	v12 =	vld.idx.msk [tilespmem:v5+s21+$0x0], $0xffff;
	[tilespmem:s26+$0x0] =	vst v10  }
0x7e: {  	v16 =	vld.idx.msk [tilespmem:v3+s21+$0x0], $0xffff;
	s19 =	sor.u32 s8, s28;
	[tilespmem:s18+$0x0] =	vst v14  }
0x7f: {  	v8 =	vld.idx.msk [tilespmem:v1+s29+$0x0], $0xffff;
	s18 =	sadd.s32 $0x8480, s10;
	[tilespmem:s19+$0x0] =	vst v15  }
0x80: {  	v14 =	vld.idx.msk [tilespmem:v4+s22+$0x0], $0xffff;
	s21 =	sor.u32 s0, s18;
	[dreg:$0xa] =	wrdreg s31  }
0x81: {  	s15 =	simm.s32 $0x4;
	[tilespmem:s21+$0x0] =	vst v9  }
0x82: {  	s4 =	sor.u32 s5, s4;
	s25 =	sshll.u32 s31, $0x1;
	s11 =	rddreg [dreg:$0x4]  }
0x83: {  	s17 =	sor.u32 s5, s16;
	v15 =	vld.idx.msk [tilespmem:v6+s22+$0x0], $0xffff;
	[dreg:$0xb] =	wrdreg s25;
	s11 =	sor.u32 s11, s25  }
0x84: {  	s20 =	simm.s32 $0x438;
	s26 =	sor.u32 s7, s28;
	[dreg:$0xd] =	wrdreg s11  }
0x85: {  	s24 =	simm.s32 $0x1B0;
	s28 =	sor.u32 s1, s28;
	s30 =	simm.s32 $0x3F0;
	[tilespmem:s26+$0x0] =	vst v12;
	v18 =	vld.idx.msk [tilespmem:v7+s20+$0x0], $0xffff  }
0x86: {  	s19 =	sor.u32 s9, s16;
	s12 =	sor.u32 s5, s18;
	s31 =	sor.u32 s6, s16;
	[tilespmem:s28+$0x0] =	vst v16;
	v11 =	vld.idx.msk [tilespmem:v5+s22+$0x0], $0xffff  }
0x87: {  	[tilespmem:s4+$0x0] =	vst v13;
	s26 =	simm.s32 $0xD8;
	s20 =	sor.u32 s6, s18;
	v10 =	vld.idx.msk [tilespmem:v3+s22+$0x0], $0xffff;
	s22 =	sadd.s32 $0x3C80, s13  }
0x88: {  	[tilespmem:s31+$0x0] =	vst v17;
	s28 =	sadd.s32 $0x8C80, s10;
	s18 =	sor.u32 s9, s18;
	v9 =	vld.idx.msk [tilespmem:v0+s29+$0x0], $0xffff;
	s25 =	sor.u32 s14, s22  }
0x89: {  	v7 =	vld.idx.msk [tilespmem:v2+s30+$0x0], $0xffff;
	s10 =	sor.u32 s5, s28;
	s16 =	sor.u32 s6, s28;
	s31 =	sor.u32 s8, s22;
	[tilespmem:s25+$0x0] =	vst v14  }
0x8a: {  	s0 =	sor.u32 s0, s28;
	s4 =	sor.u32 s9, s28;
	s29 =	simm.s32 $0x168;
	[tilespmem:s31+$0x0] =	vst v15;
	v12 =	vld.idx.msk [tilespmem:v4+s24+$0x0], $0xffff  }
0x8b: {  	s6 =	simm.s32 $0x500;
	s21 =	sor.u32 s1, s22;
	s22 =	sor.u32 s7, s22;
	v13 =	vld.idx.msk [tilespmem:v6+s24+$0x0], $0xffff;
	[tilespmem:s0+$0x0] =	vst v18  }
.LBB2_3:
0x8c: {  	s0 =	smov.u32 s14  }
0x8d: {  	v14 =	vld [tilespmem:s6+$0x0];
	[tilespmem:s22+$0x0] =	vst v11;
	s9 =	smov.u32 s8;
	s5 =	smov.u32 s7;
	s28 =	simm.s32 $0x1B0  }
0x8e: {  	[tilespmem:s21+$0x0] =	vst v10;
	v10 =	vld.idx.msk [tilespmem:v5+s28+$0x0], $0xffff  }
0x8f: {  	s7 =	sadd.s32 $0x4480, s13;
	s30 =	simm.s32 $0x3F0;
	v11 =	vld.idx.msk [tilespmem:v3+s28+$0x0], $0xffff;
	[tilespmem:s19+$0x0] =	vst v8  }
0x90: {  	s8 =	sor.u32 s1, s7;
	s11 =	sor.u32 s9, s7;
	s14 =	sor.u32 s0, s7;
	[tilespmem:s17+$0x0] =	vst v9;
	v8 =	vld.idx.msk [tilespmem:v1+s30+$0x0], $0xffff  }
0x91: {  	s7 =	sor.u32 s5, s7;
	[tilespmem:s14+$0x0] =	vst v12;
	v9 =	vld.idx.msk [tilespmem:v0+s30+$0x0], $0xffff  }
0x92: {  	[tilespmem:s11+$0x0] =	vst v13;
	s11 =	simm.s32 $0x1F8  }
0x93: {  	v12 =	vld.idx.msk [tilespmem:v4+s11+$0x0], $0xffff  }
0x94: {  	s31 =	simm.s32 $0x438;
	v13 =	vld.idx.msk [tilespmem:v6+s11+$0x0], $0xffff;
	[tilespmem:s20+$0x0] =	vst v7  }
0x95: {  	[tilespmem:s7+$0x0] =	vst v10;
	v7 =	vld.idx.msk [tilespmem:v2+s31+$0x0], $0xffff;
	v2 =	vmov v6  }
0x96: {  	[tilespmem:s8+$0x0] =	vst v11;
	v6 =	vld.idx.msk [tilespmem:v5+s11+$0x0], $0xffff  }
0x97: {  	s7 =	sadd.s32 $0x4C80, s13;
	v10 =	vld.idx.msk [tilespmem:v3+s11+$0x0], $0xffff;
	[tilespmem:s18+$0x0] =	vst v8  }
0x98: {  	s17 =	sor.u32 s1, s7;
	s8 =	sor.u32 s9, s7;
	s11 =	sor.u32 s0, s7;
	[tilespmem:s12+$0x0] =	vst v9;
	v8 =	vld.idx.msk [tilespmem:v1+s31+$0x0], $0xffff;
	v1 =	vmov v5  }
0x99: {  	s24 =	simm.s32 $0x240;
	s7 =	sor.u32 s5, s7;
	[tilespmem:s11+$0x0] =	vst v12;
	v5 =	vld.idx.msk [tilespmem:v0+s31+$0x0], $0xffff;
	v0 =	vmov v3;
	v3 =	vmov v14  }
0x9a: {  	s2 =	sadd.s32 $0x40, s2;
	[tilespmem:s8+$0x0] =	vst v13;
	v9 =	vld.idx.msk [tilespmem:v4+s24+$0x0], $0xffff  }
0x9b: {  	s15 =	sadd.s32 $0x4, s15;
	s11 =	sand.u32 $0x40, s2;
	v11 =	vld.idx.msk [tilespmem:v2+s24+$0x0], $0xffff;
	[tilespmem:s16+$0x0] =	vst v7  }
0x9c: {  	p0 =	slt.u32 s15, $0x7C;
	s14 =	sor.u32 $0x30, s11;
	s16 =	sand.u32 $0x780, s2;
	v12 =	vld.idx.msk [tilespmem:v14+s23+$0x0], $0xffff;
	[tilespmem:s7+$0x0] =	vst v6  }
0x9d: {  	s8 =	sor.u32 $0x10, s11;
	s7 =	sor.u32 $0x20, s11;
	s18 =	sor.u32 s16, s14;
	[tilespmem:s17+$0x0] =	vst v10;
	v10 =	vld.idx.msk [tilespmem:v1+s24+$0x0], $0xffff  }
0x9e: {  	s19 =	sadd.s32 $0x5480, s13;
	s17 =	sor.u32 s16, s8;
	s12 =	sor.u32 s16, s7;
	v7 =	vld [tilespmem:s18+$0x480];
	[tilespmem:s4+$0x0] =	vst v8  }
0x9f: {  	s21 =	sor.u32 s0, s19;
	s20 =	sor.u32 s9, s19;
	s4 =	sor.u32 s1, s19;
	v6 =	vld [tilespmem:s17+$0x480];
	[tilespmem:s10+$0x0] =	vst v5  }
0xa0: {  	s22 =	simm.s32 $0x288;
	s10 =	sor.u32 s5, s19;
	v5 =	vld [tilespmem:s12+$0x480];
	[tilespmem:s21+$0x0] =	vst v9  }
0xa1: {  	[tilespmem:s20+$0x0] =	vst v11;
	v8 =	vld.idx.msk [tilespmem:v4+s22+$0x0], $0xffff  }
0xa2: {  	v9 =	vld.idx.msk [tilespmem:v0+s24+$0x0], $0xffff  }
0xa3: {  	s3 =	sadd.s32 $0x40, s3;
	v11 =	vld.idx.msk [tilespmem:v2+s22+$0x0], $0xffff;
	[tilespmem:s10+$0x0] =	vst v10  }
0xa4: {  	s25 =	simm.s32 $0x48;
	[tilespmem:s3+$0x0] =	vst v12;
	v10 =	vld.idx.msk [tilespmem:v1+s22+$0x0], $0xffff  }
0xa5: {  	s10 =	sadd.s32 $0x5C80, s13;
	v12 =	vld.idx.msk [tilespmem:v3+s25+$0x0], $0xffff  }
0xa6: {  	s19 =	sor.u32 s1, s10;
	s20 =	sor.u32 s9, s10;
	s21 =	sor.u32 s0, s10;
	v13 =	vld.idx.msk [tilespmem:v7+s23+$0x0], $0xffff  }
0xa7: {  	s24 =	simm.s32 $0x2D0;
	s10 =	sor.u32 s5, s10;
	v14 =	vld.idx.msk [tilespmem:v6+s23+$0x0], $0xffff;
	[tilespmem:s21+$0x0] =	vst v8  }
0xa8: {  	[tilespmem:s4+$0x0] =	vst v9;
	v8 =	vld.idx.msk [tilespmem:v4+s24+$0x0], $0xffff  }
0xa9: {  	v9 =	vld.idx.msk [tilespmem:v5+s23+$0x0], $0xffff;
	[tilespmem:s20+$0x0] =	vst v11  }
0xaa: {  	v11 =	vld.idx.msk [tilespmem:v0+s22+$0x0], $0xffff;
	[tilespmem:s10+$0x0] =	vst v10  }
0xab: {  	v10 =	vld.idx.msk [tilespmem:v2+s24+$0x0], $0xffff  }
0xac: {  	s4 =	sadd.s32 $0x6480, s13;
	[tilespmem:s18+$0x1480] =	vst v13;
	v13 =	vld.idx.msk [tilespmem:v1+s24+$0x0], $0xffff  }
0xad: {  	s10 =	sor.u32 s1, s4;
	s18 =	sor.u32 s0, s4;
	[tilespmem:s17+$0x1480] =	vst v14;
	v14 =	vld.idx.msk [tilespmem:v7+s25+$0x0], $0xffff;
	s17 =	sor.u32 s9, s4  }
0xae: {  	s21 =	simm.s32 $0x318;
	s4 =	sor.u32 s5, s4;
	v15 =	vld.idx.msk [tilespmem:v6+s25+$0x0], $0xffff;
	[tilespmem:s18+$0x0] =	vst v8  }
0xaf: {  	[tilespmem:s12+$0x1480] =	vst v9;
	v8 =	vld.idx.msk [tilespmem:v4+s21+$0x0], $0xffff  }
0xb0: {  	v9 =	vld.idx.msk [tilespmem:v5+s25+$0x0], $0xffff;
	[tilespmem:s19+$0x0] =	vst v11  }
0xb1: {  	s12 =	sadd.s32 $0x1C80, s16;
	v11 =	vld.idx.msk [tilespmem:v0+s24+$0x0], $0xffff;
	[tilespmem:s17+$0x0] =	vst v10  }
0xb2: {  	s18 =	sor.u32 s8, s12;
	s19 =	sor.u32 s14, s12;
	s17 =	sor.u32 s11, s12;
	v10 =	vld.idx.msk [tilespmem:v2+s21+$0x0], $0xffff;
	[tilespmem:s4+$0x0] =	vst v13  }
0xb3: {  	s23 =	simm.s32 $0x90;
	s4 =	sor.u32 s7, s12;
	s12 =	sadd.s32 $0x6C80, s13;
	[tilespmem:s19+$0x0] =	vst v14;
	v13 =	vld.idx.msk [tilespmem:v1+s21+$0x0], $0xffff  }
0xb4: {  	s19 =	sor.u32 s9, s12;
	s20 =	sor.u32 s0, s12;
	[tilespmem:s18+$0x0] =	vst v15;
	v14 =	vld.idx.msk [tilespmem:v7+s23+$0x0], $0xffff;
	s18 =	sor.u32 s1, s12  }
0xb5: {  	s22 =	simm.s32 $0x360;
	s12 =	sor.u32 s5, s12;
	v15 =	vld.idx.msk [tilespmem:v6+s23+$0x0], $0xffff;
	[tilespmem:s20+$0x0] =	vst v8  }
0xb6: {  	[tilespmem:s4+$0x0] =	vst v9;
	v8 =	vld.idx.msk [tilespmem:v4+s22+$0x0], $0xffff  }
0xb7: {  	[tilespmem:s17+$0x0] =	vst v12;
	v9 =	vld.idx.msk [tilespmem:v5+s23+$0x0], $0xffff  }
0xb8: {  	s4 =	sadd.s32 $0x2480, s16;
	v12 =	vld.idx.msk [tilespmem:v3+s23+$0x0], $0xffff;
	[tilespmem:s10+$0x0] =	vst v11  }
0xb9: {  	s17 =	sor.u32 s8, s4;
	s20 =	sor.u32 s14, s4;
	s10 =	sor.u32 s11, s4;
	v11 =	vld.idx.msk [tilespmem:v0+s21+$0x0], $0xffff;
	[tilespmem:s19+$0x0] =	vst v10  }
0xba: {  	s19 =	sor.u32 s7, s4;
	[tilespmem:s20+$0x0] =	vst v14;
	s20 =	sadd.s32 $0x7480, s13;
	v10 =	vld.idx.msk [tilespmem:v2+s22+$0x0], $0xffff  }
0xbb: {  	[tilespmem:s17+$0x0] =	vst v15;
	v14 =	vld.idx.msk [tilespmem:v7+s26+$0x0], $0xffff;
	s4 =	sor.u32 s1, s20;
	s21 =	sor.u32 s9, s20;
	s17 =	sor.u32 s0, s20  }
0xbc: {  	s24 =	simm.s32 $0x3A8;
	s20 =	sor.u32 s5, s20;
	v15 =	vld.idx.msk [tilespmem:v6+s26+$0x0], $0xffff;
	[tilespmem:s17+$0x0] =	vst v8  }
0xbd: {  	[tilespmem:s19+$0x0] =	vst v9;
	v8 =	vld.idx.msk [tilespmem:v4+s24+$0x0], $0xffff  }
0xbe: {  	[tilespmem:s10+$0x0] =	vst v12;
	v9 =	vld.idx.msk [tilespmem:v5+s26+$0x0], $0xffff  }
0xbf: {  	s10 =	sadd.s32 $0x2C80, s16;
	v12 =	vld.idx.msk [tilespmem:v3+s26+$0x0], $0xffff;
	[tilespmem:s12+$0x0] =	vst v13  }
0xc0: {  	s12 =	sor.u32 s11, s10;
	s17 =	sor.u32 s8, s10;
	s19 =	sor.u32 s14, s10;
	[tilespmem:s18+$0x0] =	vst v11;
	v11 =	vld.idx.msk [tilespmem:v1+s22+$0x0], $0xffff  }
0xc1: {  	s25 =	simm.s32 $0x120;
	s10 =	sor.u32 s7, s10;
	s18 =	sadd.s32 $0x7C80, s13;
	[tilespmem:s19+$0x0] =	vst v14;
	v13 =	vld.idx.msk [tilespmem:v0+s22+$0x0], $0xffff  }
0xc2: {  	s22 =	sor.u32 s9, s18;
	s23 =	sor.u32 s0, s18;
	[tilespmem:s17+$0x0] =	vst v15;
	v14 =	vld.idx.msk [tilespmem:v7+s25+$0x0], $0xffff;
	s17 =	sor.u32 s1, s18  }
0xc3: {  	s19 =	sor.u32 s5, s18;
	v15 =	vld.idx.msk [tilespmem:v6+s25+$0x0], $0xffff;
	[tilespmem:s23+$0x0] =	vst v8  }
0xc4: {  	[tilespmem:s10+$0x0] =	vst v9;
	v9 =	vld.idx.msk [tilespmem:v4+s30+$0x0], $0xffff  }
0xc5: {  	[tilespmem:s12+$0x0] =	vst v12;
	v12 =	vld.idx.msk [tilespmem:v5+s25+$0x0], $0xffff  }
0xc6: {  	s10 =	sadd.s32 $0x3480, s16;
	v16 =	vld.idx.msk [tilespmem:v3+s25+$0x0], $0xffff;
	[tilespmem:s21+$0x0] =	vst v10  }
0xc7: {  	s12 =	sor.u32 s8, s10;
	s18 =	sor.u32 s14, s10;
	s21 =	sor.u32 s11, s10;
	v17 =	vld.idx.msk [tilespmem:v2+s24+$0x0], $0xffff;
	[tilespmem:s20+$0x0] =	vst v11  }
0xc8: {  	s10 =	sor.u32 s7, s10;
	[tilespmem:s18+$0x0] =	vst v14;
	s18 =	sadd.s32 $0x8480, s13;
	v8 =	vld.idx.msk [tilespmem:v1+s24+$0x0], $0xffff  }
0xc9: {  	[tilespmem:s12+$0x0] =	vst v15;
	v14 =	vld.idx.msk [tilespmem:v7+s29+$0x0], $0xffff;
	s12 =	sor.u32 s1, s18;
	s20 =	sor.u32 s9, s18;
	s23 =	sor.u32 s0, s18  }
0xca: {  	s18 =	sor.u32 s5, s18;
	v15 =	vld.idx.msk [tilespmem:v6+s29+$0x0], $0xffff;
	[tilespmem:s23+$0x0] =	vst v9  }
0xcb: {  	[tilespmem:s10+$0x0] =	vst v12;
	v18 =	vld.idx.msk [tilespmem:v4+s31+$0x0], $0xffff;
	v4 =	vmov v7  }
0xcc: {  	[tilespmem:s21+$0x0] =	vst v16;
	v11 =	vld.idx.msk [tilespmem:v5+s29+$0x0], $0xffff  }
.Ltmp0:
0xcd: {  	s6 =	sadd.s32 $0x40, s6;
	s10 =	sadd.s32 $0x3C80, s16;
	v10 =	vld.idx.msk [tilespmem:v3+s29+$0x0], $0xffff;
	[tilespmem:s4+$0x0] =	vst v13;
	(pc) =	sbr.rel @p0 .LBB2_3-.Ltmp0, $4  }
0xce: {  	s21 =	sor.u32 s11, s10;
	s23 =	sor.u32 s14, s10;
	s4 =	sor.u32 s8, s10;
	v9 =	vld.idx.msk [tilespmem:v0+s24+$0x0], $0xffff;
	[tilespmem:s22+$0x0] =	vst v17  }
0xcf: {  	s22 =	sor.u32 s7, s10;
	[tilespmem:s23+$0x0] =	vst v14;
	s23 =	sadd.s32 $0x8C80, s13;
	v7 =	vld.idx.msk [tilespmem:v2+s30+$0x0], $0xffff;
	s13 =	smov.u32 s16  }
0xd0: {  	[tilespmem:s4+$0x0] =	vst v15;
	v12 =	vld.idx.msk [tilespmem:v4+s28+$0x0], $0xffff;
	s10 =	sor.u32 s1, s23;
	s16 =	sor.u32 s9, s23;
	s0 =	sor.u32 s0, s23  }
0xd1: {  	s4 =	sor.u32 s5, s23;
	s23 =	simm.s32 $0x0;
	s1 =	smov.u32 s11;
	v13 =	vld.idx.msk [tilespmem:v6+s28+$0x0], $0xffff;
	[tilespmem:s0+$0x0] =	vst v18  }
0xd2: {  	_ =	sdelay $0x2  }
0xd3: {  	[tilespmem:s22+$0x0] =	vst v11;
	s28 =	simm.s32 $0x1B0  }
0xd4: {  	[tilespmem:s21+$0x0] =	vst v10;
	v10 =	vld.idx.msk [tilespmem:v5+s28+$0x0], $0xffff  }
0xd5: {  	s0 =	sadd.s32 $0x4480, s13;
	v11 =	vld.idx.msk [tilespmem:v3+s28+$0x0], $0xffff  }
0xd6: {  	s2 =	sor.u32 s14, s0  }
0xd7: {  	s11 =	simm.s32 $0x1F8;
	s3 =	sor.u32 s8, s0;
	[tilespmem:s2+$0x0] =	vst v12  }
0xd8: {  	s9 =	sor.u32 s7, s0;
	[tilespmem:s3+$0x0] =	vst v13;
	v12 =	vld.idx.msk [tilespmem:v4+s11+$0x0], $0xffff  }
0xd9: {  	s0 =	sor.u32 s1, s0;
	v13 =	vld.idx.msk [tilespmem:v6+s11+$0x0], $0xffff;
	[tilespmem:s9+$0x0] =	vst v10  }
0xda: {  	[tilespmem:s0+$0x0] =	vst v11;
	v10 =	vld.idx.msk [tilespmem:v5+s11+$0x0], $0xffff  }
0xdb: {  	s15 =	sadd.s32 $0x4C80, s13;
	v11 =	vld.idx.msk [tilespmem:v3+s11+$0x0], $0xffff  }
0xdc: {  	s22 =	sor.u32 s14, s15  }
0xdd: {  	s21 =	simm.s32 $0x240;
	s24 =	sor.u32 s8, s15;
	[tilespmem:s22+$0x0] =	vst v12  }
0xde: {  	s25 =	sor.u32 s7, s15;
	[tilespmem:s24+$0x0] =	vst v13;
	v12 =	vld.idx.msk [tilespmem:v4+s21+$0x0], $0xffff  }
0xdf: {  	s0 =	sor.u32 s1, s15;
	v13 =	vld.idx.msk [tilespmem:v6+s21+$0x0], $0xffff;
	[tilespmem:s25+$0x0] =	vst v10  }
0xe0: {  	[tilespmem:s0+$0x0] =	vst v11;
	v10 =	vld.idx.msk [tilespmem:v5+s21+$0x0], $0xffff  }
0xe1: {  	s30 =	sadd.s32 $0x5480, s13;
	v11 =	vld.idx.msk [tilespmem:v3+s21+$0x0], $0xffff  }
0xe2: {  	s5 =	sor.u32 s14, s30  }
0xe3: {  	s31 =	simm.s32 $0x288;
	s6 =	sor.u32 s8, s30;
	[tilespmem:s5+$0x0] =	vst v12  }
0xe4: {  	s9 =	sor.u32 s7, s30;
	[tilespmem:s6+$0x0] =	vst v13;
	v12 =	vld.idx.msk [tilespmem:v4+s31+$0x0], $0xffff  }
0xe5: {  	s0 =	sor.u32 s1, s30;
	v13 =	vld.idx.msk [tilespmem:v6+s31+$0x0], $0xffff;
	[tilespmem:s9+$0x0] =	vst v10  }
0xe6: {  	[tilespmem:s0+$0x0] =	vst v11;
	v10 =	vld.idx.msk [tilespmem:v5+s31+$0x0], $0xffff  }
0xe7: {  	s15 =	sadd.s32 $0x5C80, s13;
	v11 =	vld.idx.msk [tilespmem:v3+s31+$0x0], $0xffff  }
0xe8: {  	s24 =	sor.u32 s14, s15  }
0xe9: {  	s22 =	simm.s32 $0x2D0;
	s25 =	sor.u32 s8, s15;
	[tilespmem:s24+$0x0] =	vst v12  }
0xea: {  	s30 =	sor.u32 s7, s15;
	v12 =	vld.idx.msk [tilespmem:v4+s22+$0x0], $0xffff;
	[tilespmem:s25+$0x0] =	vst v13  }
0xeb: {  	s0 =	sor.u32 s1, s15;
	[tilespmem:s30+$0x0] =	vst v10;
	v10 =	vld.idx.msk [tilespmem:v6+s22+$0x0], $0xffff  }
0xec: {  	[tilespmem:s0+$0x0] =	vst v11;
	v13 =	vld.idx.msk [tilespmem:v5+s22+$0x0], $0xffff  }
0xed: {  	s5 =	sadd.s32 $0x6480, s13;
	v11 =	vld.idx.msk [tilespmem:v3+s22+$0x0], $0xffff  }
0xee: {  	s6 =	sor.u32 s14, s5  }
0xef: {  	s9 =	sor.u32 s8, s5;
	s24 =	simm.s32 $0x318;
	[tilespmem:s6+$0x0] =	vst v12  }
0xf0: {  	s15 =	sor.u32 s7, s5;
	v12 =	vld.idx.msk [tilespmem:v4+s24+$0x0], $0xffff;
	[tilespmem:s9+$0x0] =	vst v10  }
0xf1: {  	s0 =	sor.u32 s1, s5;
	v10 =	vld.idx.msk [tilespmem:v6+s24+$0x0], $0xffff;
	[tilespmem:s15+$0x0] =	vst v13  }
0xf2: {  	[tilespmem:s0+$0x0] =	vst v11;
	v13 =	vld.idx.msk [tilespmem:v5+s24+$0x0], $0xffff  }
0xf3: {  	s25 =	sadd.s32 $0x6C80, s13;
	v11 =	vld.idx.msk [tilespmem:v3+s24+$0x0], $0xffff  }
0xf4: {  	s5 =	sor.u32 s14, s25  }
0xf5: {  	s30 =	simm.s32 $0x360;
	s6 =	sor.u32 s8, s25;
	[tilespmem:s5+$0x0] =	vst v12  }
0xf6: {  	s9 =	sor.u32 s7, s25;
	v12 =	vld.idx.msk [tilespmem:v4+s30+$0x0], $0xffff;
	[tilespmem:s6+$0x0] =	vst v10  }
0xf7: {  	s0 =	sor.u32 s1, s25;
	v10 =	vld.idx.msk [tilespmem:v6+s30+$0x0], $0xffff;
	[tilespmem:s9+$0x0] =	vst v13  }
0xf8: {  	[tilespmem:s0+$0x0] =	vst v11;
	v11 =	vld.idx.msk [tilespmem:v5+s30+$0x0], $0xffff  }
0xf9: {  	[tilespmem:s19+$0x0] =	vst v8;
	s15 =	sadd.s32 $0x7480, s13;
	v8 =	vld.idx.msk [tilespmem:v3+s30+$0x0], $0xffff  }
0xfa: {  	[tilespmem:s17+$0x0] =	vst v9;
	s17 =	sor.u32 s14, s15;
	s5 =	simm.s32 $0x3F0  }
0xfb: {  	s19 =	sor.u32 s8, s15;
	v9 =	vld.idx.msk [tilespmem:v1+s5+$0x0], $0xffff;
	s6 =	simm.s32 $0x3A8;
	[tilespmem:s17+$0x0] =	vst v12  }
0xfc: {  	s25 =	sor.u32 s7, s15;
	v12 =	vld.idx.msk [tilespmem:v4+s6+$0x0], $0xffff;
	[tilespmem:s19+$0x0] =	vst v10  }
0xfd: {  	s0 =	sor.u32 s1, s15;
	v10 =	vld.idx.msk [tilespmem:v6+s6+$0x0], $0xffff;
	[tilespmem:s25+$0x0] =	vst v11  }
0xfe: {  	[tilespmem:s0+$0x0] =	vst v8;
	v11 =	vld.idx.msk [tilespmem:v5+s6+$0x0], $0xffff  }
0xff: {  	[tilespmem:s20+$0x0] =	vst v7;
	s9 =	sadd.s32 $0x7C80, s13;
	v7 =	vld.idx.msk [tilespmem:v3+s6+$0x0], $0xffff  }
0x100: {  	s15 =	sor.u32 s14, s9;
	[tilespmem:s18+$0x0] =	vst v9;
	s19 =	simm.s32 $0x438;
	v8 =	vld.idx.msk [tilespmem:v0+s5+$0x0], $0xffff  }
0x101: {  	s20 =	simm.s32 $0x3F0;
	s17 =	sor.u32 s8, s9;
	v2 =	vld.idx.msk [tilespmem:v2+s19+$0x0], $0xffff;
	[tilespmem:s15+$0x0] =	vst v12  }
0x102: {  	s18 =	sor.u32 s7, s9;
	v9 =	vld.idx.msk [tilespmem:v4+s20+$0x0], $0xffff;
	[tilespmem:s17+$0x0] =	vst v10  }
0x103: {  	s0 =	sor.u32 s1, s9;
	v10 =	vld.idx.msk [tilespmem:v6+s20+$0x0], $0xffff;
	[tilespmem:s18+$0x0] =	vst v11  }
0x104: {  	[tilespmem:s0+$0x0] =	vst v7;
	v7 =	vld.idx.msk [tilespmem:v5+s20+$0x0], $0xffff  }
0x105: {  	s25 =	sadd.s32 $0x8480, s13;
	[tilespmem:s12+$0x0] =	vst v8;
	v8 =	vld.idx.msk [tilespmem:v3+s20+$0x0], $0xffff  }
0x106: {  	v1 =	vld.idx.msk [tilespmem:v1+s19+$0x0], $0xffff;
	s5 =	sor.u32 s14, s25;
	[tilespmem:s16+$0x0] =	vst v2  }
0x107: {  	s6 =	sor.u32 s8, s25;
	[tilespmem:s5+$0x0] =	vst v9  }
0x108: {  	s9 =	sor.u32 s7, s25;
	v0 =	vld.idx.msk [tilespmem:v0+s19+$0x0], $0xffff;
	[tilespmem:s6+$0x0] =	vst v10  }
0x109: {  	s0 =	sor.u32 s1, s25;
	v2 =	vld.idx.msk [tilespmem:v4+s19+$0x0], $0xffff;
	[tilespmem:s9+$0x0] =	vst v7  }
0x10a: {  	v4 =	vld.idx.msk [tilespmem:v6+s19+$0x0], $0xffff;
	[tilespmem:s0+$0x0] =	vst v8  }
0x10b: {  	s13 =	sadd.s32 $0x8C80, s13;
	s12 =	rddreg [dreg:$0xa];
	[tilespmem:s4+$0x0] =	vst v1;
	v1 =	vld.idx.msk [tilespmem:v3+s19+$0x0], $0xffff  }
0x10c: {  	s14 =	sor.u32 s14, s13;
	v5 =	vld.idx.msk [tilespmem:v5+s19+$0x0], $0xffff;
	p0 =	seq.s32 s12, $0x1F;
	s9 =	rddreg [dreg:$0xd]  }
0x10d: {  	s15 =	sor.u32 s8, s13;
	s16 =	sor.u32 s7, s13;
	[tilespmem:s10+$0x0] =	vst v0;
	s2 =	sadd.s32 @!p0 $0x2, s9  }
0x10e: {  	s5 =	rddreg [dreg:$0x1];
	s0 =	sor.u32 s1, s13;
	[tilespmem:s14+$0x0] =	vst v2;
	s4 =	sshll.u32 @!p0 s2, $0x4  }
0x10f: {  	s17 =	sshll.u32 s12, $0x5;
	s2 =	sshll.u32 @!p0 s2, $0x8;
	s3 =	sand.u32 @!p0 $0x60, s4;
	[tilespmem:s15+$0x0] =	vst v4  }
0x110: {  	s2 =	sand.u32 @!p0 $0xFFFF800, s2;
	s3 =	sadd.s32 @!p0 s5, s3;
	[tilespmem:s0+$0x0] =	vst v1;
	s0 =	simm.s32 @!p0 $0x80  }
0x111: {  	[tilespmem:s16+$0x0] =	vst v5;
	s1 =	sadd.s32 @!p0 s2, s3;
	s2 =	simm.s32 @!p0 $0x400;
	s3 =	simm.s32 @!p0 $0x480  }
0x112: {  	[tilespmem:s3], [sflag:$0x1] =	stream.strided.gather @!p0 [hbm4b:s1+s0], $0x800, s2, s0, $0x38;
	[tilespmem:$0x11480] =	vst v63  }
0x113: {  	s20 =	rddreg [dreg:$0x2];
	s18 =	sshll.u32 s9, $0x8;
	s0 =	sand.u32 $0x60, s17  }
0x114: {  	s25 =	simm.s32 $0x1480;
	s1 =	sand.u32 $0x7F800, s18;
	s0 =	sadd.s32 s20, s0  }
0x115: {  	s2 =	simm.s32 $0x80;
	s3 =	simm.s32 $0x400;
	s0 =	sadd.s32 s1, s0  }
0x116: {  	[hbm4b:s0+s2] =	stream.strided.scatter [tilespmem:s25], [sflag:$0x3], $0x800, s3, s2, $0x38;
	[tilespmem:$0x11480] =	vst v63  }
0x117: {  	s5 =	simm.s32 $0x1C80;
	s4 =	sadd.s32 $0x80000, s0  }
0x118: {  	[hbm4b:s4+s2] =	stream.strided.scatter [tilespmem:s5], [sflag:$0x3], $0x800, s3, s2, $0x38;
	[tilespmem:$0x11480] =	vst v63  }
0x119: {  	s7 =	simm.s32 $0x2480;
	s6 =	sadd.s32 $0x100000, s0  }
0x11a: {  	[hbm4b:s6+s2] =	stream.strided.scatter [tilespmem:s7], [sflag:$0x3], $0x800, s3, s2, $0x38;
	[tilespmem:$0x11480] =	vst v63  }
0x11b: {  	s9 =	simm.s32 $0x2C80;
	s8 =	sadd.s32 $0x180000, s0  }
0x11c: {  	[hbm4b:s8+s2] =	stream.strided.scatter [tilespmem:s9], [sflag:$0x3], $0x800, s3, s2, $0x38;
	[tilespmem:$0x11480] =	vst v63  }
0x11d: {  	s12 =	simm.s32 $0x3480;
	s10 =	sadd.s32 $0x200000, s0  }
0x11e: {  	[hbm4b:s10+s2] =	stream.strided.scatter [tilespmem:s12], [sflag:$0x3], $0x800, s3, s2, $0x38;
	[tilespmem:$0x11480] =	vst v63  }
0x11f: {  	s14 =	simm.s32 $0x3C80;
	s13 =	sadd.s32 $0x280000, s0  }
0x120: {  	[hbm4b:s13+s2] =	stream.strided.scatter [tilespmem:s14], [sflag:$0x3], $0x800, s3, s2, $0x38;
	[tilespmem:$0x11480] =	vst v63  }
0x121: {  	s16 =	simm.s32 $0x4480;
	s15 =	sadd.s32 $0x300000, s0  }
0x122: {  	[hbm4b:s15+s2] =	stream.strided.scatter [tilespmem:s16], [sflag:$0x3], $0x800, s3, s2, $0x38;
	[tilespmem:$0x11480] =	vst v63  }
0x123: {  	s18 =	simm.s32 $0x4C80;
	s17 =	sadd.s32 $0x380000, s0  }
0x124: {  	[hbm4b:s17+s2] =	stream.strided.scatter [tilespmem:s18], [sflag:$0x3], $0x800, s3, s2, $0x38;
	[tilespmem:$0x11480] =	vst v63  }
0x125: {  	s20 =	sadd.s32 $0x400000, s0;
	s25 =	simm.s32 $0x5480  }
0x126: {  	[hbm4b:s20+s2] =	stream.strided.scatter [tilespmem:s25], [sflag:$0x3], $0x800, s3, s2, $0x38;
	[tilespmem:$0x11480] =	vst v63  }
0x127: {  	s5 =	sadd.s32 $0x480000, s0;
	s6 =	simm.s32 $0x5C80  }
0x128: {  	[hbm4b:s5+s2] =	stream.strided.scatter [tilespmem:s6], [sflag:$0x3], $0x800, s3, s2, $0x38;
	[tilespmem:$0x11480] =	vst v63  }
0x129: {  	s7 =	sadd.s32 $0x500000, s0;
	s8 =	simm.s32 $0x6480  }
0x12a: {  	[hbm4b:s7+s2] =	stream.strided.scatter [tilespmem:s8], [sflag:$0x3], $0x800, s3, s2, $0x38;
	[tilespmem:$0x11480] =	vst v63  }
0x12b: {  	s9 =	sadd.s32 $0x580000, s0;
	s10 =	simm.s32 $0x6C80  }
0x12c: {  	[hbm4b:s9+s2] =	stream.strided.scatter [tilespmem:s10], [sflag:$0x3], $0x800, s3, s2, $0x38;
	[tilespmem:$0x11480] =	vst v63  }
0x12d: {  	s12 =	sadd.s32 $0x600000, s0;
	s13 =	simm.s32 $0x7480  }
0x12e: {  	[hbm4b:s12+s2] =	stream.strided.scatter [tilespmem:s13], [sflag:$0x3], $0x800, s3, s2, $0x38;
	[tilespmem:$0x11480] =	vst v63  }
0x12f: {  	s14 =	sadd.s32 $0x680000, s0;
	s15 =	simm.s32 $0x7C80  }
0x130: {  	[hbm4b:s14+s2] =	stream.strided.scatter [tilespmem:s15], [sflag:$0x3], $0x800, s3, s2, $0x38;
	[tilespmem:$0x11480] =	vst v63  }
0x131: {  	s16 =	sadd.s32 $0x700000, s0;
	s17 =	simm.s32 $0x8480  }
0x132: {  	[hbm4b:s16+s2] =	stream.strided.scatter [tilespmem:s17], [sflag:$0x3], $0x800, s3, s2, $0x38;
	[tilespmem:$0x11480] =	vst v63  }
0x133: {  	s0 =	sadd.s32 $0x780000, s0;
	s18 =	simm.s32 $0x8C80;
	s20 =	simm.s32 $0x2  }
0x134: {  	[hbm4b:s0+s2] =	stream.strided.scatter [tilespmem:s18], [sflag:$0x3], $0x800, s3, s2, $0x38;
	[tilespmem:$0x11480] =	vst v63  }
0x135: {  	_ =	swait.ge [sflag:s20], $0x800  }
0x136: {  	[sflag:s20] =	ssyncset.done $0x0  }
0x137: {  	s1 =	simm.s32 @!p1 $0x4;
	s25 =	simm.s32 $0x0;
	[sflag:s20] =	ssyncadd.s32 $0xFFFFF800  }
0x138: {  	s5 =	sand.u32 $0x40, s25;
	_ =	swait.ge @!p1 [sflag:s1], $0x8000  }
0x139: {  	s10 =	sand.u32 $0x780, s25;
	s0 =	sor.u32 $0x30, s5;
	[sflag:s1] =	ssyncset.done @!p1 $0x0  }
0x13a: {  	s6 =	sor.u32 $0x10, s5;
	s2 =	sor.u32 s10, s0;
	[sflag:s1] =	ssyncadd.s32 @!p1 $0xFFFF8000  }
0x13b: {  	s9 =	sor.u32 $0x20, s5;
	s3 =	sor.u32 s10, s6;
	v7 =	vld [tilespmem:s2+$0xC80]  }
0x13c: {  	s7 =	sor.u32 s10, s9;
	v2 =	vld [tilespmem:s3+$0xC80]  }
0x13d: {  	s8 =	simm.s32 $0xC80;
	v1 =	vld [tilespmem:s7+$0xC80]  }
0x13e: {  	v0 =	vld [tilespmem:s8+$0x0];
	_ =	sdelay $0x4  }
0x13f: {  	v3 =	vld.idx.msk [tilespmem:v7+s23+$0x0], $0xffff  }
0x140: {  	v4 =	vld.idx.msk [tilespmem:v2+s23+$0x0], $0xffff  }
0x141: {  	v5 =	vld.idx.msk [tilespmem:v1+s23+$0x0], $0xffff  }
0x142: {  	v6 =	vld.idx.msk [tilespmem:v0+s23+$0x0], $0xffff;
	_ =	sdelay $0x1  }
0x143: {  	s18 =	simm.s32 $0x48;
	[tilespmem:s2+$0x9480] =	vst v3  }
0x144: {  	[tilespmem:s3+$0x9480] =	vst v4;
	v3 =	vld.idx.msk [tilespmem:v7+s18+$0x0], $0xffff  }
0x145: {  	s12 =	simm.s32 $0x9480;
	[tilespmem:s7+$0x9480] =	vst v5;
	v4 =	vld.idx.msk [tilespmem:v2+s18+$0x0], $0xffff  }
0x146: {  	[tilespmem:s12+$0x0] =	vst v6;
	v5 =	vld.idx.msk [tilespmem:v1+s18+$0x0], $0xffff  }
0x147: {  	s13 =	sadd.s32 $0x9C80, s10;
	v6 =	vld.idx.msk [tilespmem:v0+s18+$0x0], $0xffff  }
0x148: {  	s14 =	sor.u32 s0, s13  }
0x149: {  	s25 =	simm.s32 $0x90;
	s15 =	sor.u32 s6, s13;
	[tilespmem:s14+$0x0] =	vst v3  }
0x14a: {  	s16 =	sor.u32 s9, s13;
	[tilespmem:s15+$0x0] =	vst v4;
	v3 =	vld.idx.msk [tilespmem:v7+s25+$0x0], $0xffff  }
0x14b: {  	s17 =	sor.u32 s5, s13;
	[tilespmem:s16+$0x0] =	vst v5;
	v4 =	vld.idx.msk [tilespmem:v2+s25+$0x0], $0xffff  }
0x14c: {  	[tilespmem:s17+$0x0] =	vst v6;
	v5 =	vld.idx.msk [tilespmem:v1+s25+$0x0], $0xffff  }
0x14d: {  	s20 =	sadd.s32 $0xA480, s10;
	v6 =	vld.idx.msk [tilespmem:v0+s25+$0x0], $0xffff  }
0x14e: {  	s3 =	sor.u32 s0, s20  }
0x14f: {  	s4 =	sor.u32 s6, s20;
	[tilespmem:s3+$0x0] =	vst v3  }
0x150: {  	s7 =	sor.u32 s9, s20;
	[tilespmem:s4+$0x0] =	vst v4;
	v3 =	vld.idx.msk [tilespmem:v7+s26+$0x0], $0xffff  }
0x151: {  	s8 =	sor.u32 s5, s20;
	[tilespmem:s7+$0x0] =	vst v5;
	v4 =	vld.idx.msk [tilespmem:v2+s26+$0x0], $0xffff  }
0x152: {  	[tilespmem:s8+$0x0] =	vst v6;
	v5 =	vld.idx.msk [tilespmem:v1+s26+$0x0], $0xffff  }
0x153: {  	s12 =	sadd.s32 $0xAC80, s10;
	v6 =	vld.idx.msk [tilespmem:v0+s26+$0x0], $0xffff  }
0x154: {  	s13 =	sor.u32 s0, s12  }
0x155: {  	s20 =	simm.s32 $0x120;
	s14 =	sor.u32 s6, s12;
	[tilespmem:s13+$0x0] =	vst v3  }
0x156: {  	s15 =	sor.u32 s9, s12;
	[tilespmem:s14+$0x0] =	vst v4;
	v3 =	vld.idx.msk [tilespmem:v7+s20+$0x0], $0xffff  }
0x157: {  	s16 =	sor.u32 s5, s12;
	[tilespmem:s15+$0x0] =	vst v5;
	v4 =	vld.idx.msk [tilespmem:v2+s20+$0x0], $0xffff  }
0x158: {  	[tilespmem:s16+$0x0] =	vst v6;
	v5 =	vld.idx.msk [tilespmem:v1+s20+$0x0], $0xffff  }
0x159: {  	s17 =	sadd.s32 $0xB480, s10;
	v6 =	vld.idx.msk [tilespmem:v0+s20+$0x0], $0xffff  }
0x15a: {  	s4 =	sor.u32 s0, s17  }
0x15b: {  	s7 =	sor.u32 s6, s17;
	[tilespmem:s4+$0x0] =	vst v3  }
0x15c: {  	s8 =	sor.u32 s9, s17;
	[tilespmem:s7+$0x0] =	vst v4;
	v3 =	vld.idx.msk [tilespmem:v7+s29+$0x0], $0xffff  }
0x15d: {  	s12 =	sor.u32 s5, s17;
	[tilespmem:s8+$0x0] =	vst v5;
	v4 =	vld.idx.msk [tilespmem:v2+s29+$0x0], $0xffff  }
0x15e: {  	[tilespmem:s12+$0x0] =	vst v6;
	v5 =	vld.idx.msk [tilespmem:v1+s29+$0x0], $0xffff  }
0x15f: {  	s13 =	sadd.s32 $0xBC80, s10;
	v6 =	vld.idx.msk [tilespmem:v0+s29+$0x0], $0xffff  }
0x160: {  	s3 =	simm.s32 $0xCC0;
	s14 =	sor.u32 s0, s13  }
0x161: {  	s15 =	sor.u32 s6, s13;
	[tilespmem:s14+$0x0] =	vst v3;
	v3 =	vld [tilespmem:s3+$0x0]  }
0x162: {  	s16 =	sor.u32 s9, s13;
	[tilespmem:s15+$0x0] =	vst v4;
	v4 =	vld.idx.msk [tilespmem:v7+s28+$0x0], $0xffff  }
0x163: {  	s17 =	sor.u32 s5, s13;
	[tilespmem:s16+$0x0] =	vst v5;
	v8 =	vld.idx.msk [tilespmem:v2+s28+$0x0], $0xffff  }
0x164: {  	[tilespmem:s17+$0x0] =	vst v6;
	v5 =	vld.idx.msk [tilespmem:v1+s28+$0x0], $0xffff  }
0x165: {  	s4 =	sadd.s32 $0xC480, s10;
	v6 =	vld.idx.msk [tilespmem:v0+s28+$0x0], $0xffff  }
0x166: {  	s7 =	sor.u32 s0, s4  }
0x167: {  	s8 =	sor.u32 s6, s4;
	[tilespmem:s7+$0x0] =	vst v4  }
0x168: {  	s2 =	simm.s32 $0x40;
	s12 =	sor.u32 s9, s4;
	[tilespmem:s8+$0x0] =	vst v8;
	v4 =	vld.idx.msk [tilespmem:v7+s11+$0x0], $0xffff  }
0x169: {  	s1 =	sand.u32 $0x40, s2;
	s13 =	sor.u32 s5, s4;
	[tilespmem:s12+$0x0] =	vst v5;
	v8 =	vld.idx.msk [tilespmem:v2+s11+$0x0], $0xffff  }
0x16a: {  	[tilespmem:s13+$0x0] =	vst v6;
	s13 =	sand.u32 $0x780, s2;
	s8 =	sor.u32 $0x10, s1;
	v5 =	vld.idx.msk [tilespmem:v1+s11+$0x0], $0xffff  }
0x16b: {  	s3 =	sadd.s32 $0xCC80, s10;
	v9 =	vld.idx.msk [tilespmem:v0+s11+$0x0], $0xffff;
	s11 =	sor.u32 s13, s8  }
0x16c: {  	s14 =	sor.u32 s0, s3;
	v6 =	vld [tilespmem:s11+$0xC80]  }
0x16d: {  	s15 =	sor.u32 s6, s3;
	v11 =	vld.idx.msk [tilespmem:v3+s23+$0x0], $0xffff;
	[tilespmem:s14+$0x0] =	vst v4  }
0x16e: {  	s16 =	sor.u32 s9, s3;
	[tilespmem:s15+$0x0] =	vst v8;
	v8 =	vld.idx.msk [tilespmem:v7+s21+$0x0], $0xffff  }
0x16f: {  	s7 =	sor.u32 $0x20, s1;
	[tilespmem:s16+$0x0] =	vst v5;
	v10 =	vld.idx.msk [tilespmem:v2+s21+$0x0], $0xffff  }
0x170: {  	s14 =	sor.u32 $0x30, s1;
	s15 =	sor.u32 s13, s7;
	v12 =	vld.idx.msk [tilespmem:v1+s21+$0x0], $0xffff  }
0x171: {  	s3 =	sor.u32 s5, s3;
	s4 =	sor.u32 s13, s14;
	v5 =	vld [tilespmem:s15+$0xC80]  }
0x172: {  	s12 =	sadd.s32 $0xD480, s10;
	[tilespmem:s3+$0x0] =	vst v9;
	v4 =	vld [tilespmem:s4+$0xC80]  }
0x173: {  	s17 =	sor.u32 s0, s12;
	v9 =	vld.idx.msk [tilespmem:v0+s21+$0x0], $0xffff  }
0x174: {  	s16 =	sor.u32 s6, s12;
	v14 =	vld.idx.msk [tilespmem:v6+s23+$0x0], $0xffff;
	[tilespmem:s17+$0x0] =	vst v8  }
0x175: {  	s3 =	simm.s32 $0x94C0;
	[tilespmem:s16+$0x0] =	vst v10;
	v8 =	vld.idx.msk [tilespmem:v7+s31+$0x0], $0xffff  }
0x176: {  	[tilespmem:s3+$0x0] =	vst v11;
	s17 =	sor.u32 s9, s12;
	v10 =	vld.idx.msk [tilespmem:v2+s31+$0x0], $0xffff  }
0x177: {  	[tilespmem:s17+$0x0] =	vst v12;
	v12 =	vld.idx.msk [tilespmem:v3+s18+$0x0], $0xffff  }
0x178: {  	s12 =	sor.u32 s5, s12;
	v11 =	vld.idx.msk [tilespmem:v1+s31+$0x0], $0xffff  }
0x179: {  	s16 =	sadd.s32 $0xDC80, s10;
	[tilespmem:s12+$0x0] =	vst v9;
	v9 =	vld.idx.msk [tilespmem:v5+s23+$0x0], $0xffff  }
0x17a: {  	s21 =	sor.u32 s0, s16;
	[tilespmem:s11+$0x9480] =	vst v14;
	v13 =	vld.idx.msk [tilespmem:v4+s23+$0x0], $0xffff  }
0x17b: {  	s17 =	sor.u32 s6, s16;
	v15 =	vld.idx.msk [tilespmem:v6+s18+$0x0], $0xffff;
	[tilespmem:s21+$0x0] =	vst v8  }
0x17c: {  	s21 =	sor.u32 s9, s16;
	[tilespmem:s17+$0x0] =	vst v10;
	v10 =	vld.idx.msk [tilespmem:v0+s31+$0x0], $0xffff  }
0x17d: {  	v8 =	vld.idx.msk [tilespmem:v7+s22+$0x0], $0xffff;
	[tilespmem:s21+$0x0] =	vst v11  }
0x17e: {  	v11 =	vld.idx.msk [tilespmem:v2+s22+$0x0], $0xffff;
	[tilespmem:s15+$0x9480] =	vst v9  }
0x17f: {  	s17 =	sadd.s32 $0x9C80, s13;
	[tilespmem:s4+$0x9480] =	vst v13;
	v13 =	vld.idx.msk [tilespmem:v1+s22+$0x0], $0xffff  }
0x180: {  	s21 =	sor.u32 s8, s17;
	v9 =	vld.idx.msk [tilespmem:v5+s18+$0x0], $0xffff  }
0x181: {  	s12 =	sor.u32 s5, s16;
	s4 =	sadd.s32 $0xE480, s10;
	[tilespmem:s21+$0x0] =	vst v15;
	v14 =	vld.idx.msk [tilespmem:v4+s18+$0x0], $0xffff  }
0x182: {  	s31 =	sor.u32 s0, s4;
	v15 =	vld.idx.msk [tilespmem:v6+s25+$0x0], $0xffff;
	[tilespmem:s12+$0x0] =	vst v10  }
0x183: {  	s15 =	sor.u32 s6, s4;
	[tilespmem:s31+$0x0] =	vst v8;
	v10 =	vld.idx.msk [tilespmem:v0+s22+$0x0], $0xffff  }
0x184: {  	s18 =	sor.u32 s14, s17;
	[tilespmem:s15+$0x0] =	vst v11;
	s31 =	sor.u32 s7, s17;
	s17 =	sor.u32 s1, s17;
	v8 =	vld.idx.msk [tilespmem:v7+s24+$0x0], $0xffff  }
0x185: {  	s16 =	sor.u32 s9, s4;
	v11 =	vld.idx.msk [tilespmem:v2+s24+$0x0], $0xffff;
	[tilespmem:s17+$0x0] =	vst v12  }
0x186: {  	[tilespmem:s16+$0x0] =	vst v13;
	v12 =	vld.idx.msk [tilespmem:v3+s25+$0x0], $0xffff  }
0x187: {  	[tilespmem:s31+$0x0] =	vst v9;
	v13 =	vld.idx.msk [tilespmem:v1+s24+$0x0], $0xffff  }
0x188: {  	s4 =	sor.u32 s5, s4;
	s12 =	sadd.s32 $0xEC80, s10;
	[tilespmem:s18+$0x0] =	vst v14;
	v9 =	vld.idx.msk [tilespmem:v5+s25+$0x0], $0xffff  }
0x189: {  	s22 =	sor.u32 s0, s12;
	v14 =	vld.idx.msk [tilespmem:v4+s25+$0x0], $0xffff;
	[tilespmem:s4+$0x0] =	vst v10  }
0x18a: {  	s21 =	sadd.s32 $0xA480, s13;
	s18 =	sor.u32 s6, s12;
	[tilespmem:s22+$0x0] =	vst v8;
	v10 =	vld.idx.msk [tilespmem:v0+s24+$0x0], $0xffff  }
0x18b: {  	[tilespmem:s18+$0x0] =	vst v11;
	s24 =	sor.u32 s8, s21;
	v8 =	vld.idx.msk [tilespmem:v7+s30+$0x0], $0xffff  }
0x18c: {  	s17 =	sor.u32 s1, s21;
	[tilespmem:s24+$0x0] =	vst v15  }
0x18d: {  	s31 =	sor.u32 s7, s21;
	[tilespmem:s17+$0x0] =	vst v12  }
0x18e: {  	s4 =	sadd.s32 $0xF480, s10;
	s22 =	sor.u32 s14, s21;
	v11 =	vld.idx.msk [tilespmem:v2+s30+$0x0], $0xffff;
	[tilespmem:s31+$0x0] =	vst v9  }
0x18f: {  	s25 =	sor.u32 s0, s4;
	v15 =	vld.idx.msk [tilespmem:v6+s26+$0x0], $0xffff;
	[tilespmem:s22+$0x0] =	vst v14  }
0x190: {  	s18 =	simm.s32 $0x3A8;
	s21 =	sor.u32 s9, s12;
	v14 =	vld.idx.msk [tilespmem:v4+s26+$0x0], $0xffff;
	[tilespmem:s25+$0x0] =	vst v8  }
0x191: {  	[tilespmem:s21+$0x0] =	vst v13;
	s22 =	sor.u32 s5, s12;
	v8 =	vld.idx.msk [tilespmem:v7+s18+$0x0], $0xffff  }
0x192: {  	s24 =	sadd.s32 $0xAC80, s13;
	s21 =	sor.u32 s6, s4;
	v9 =	vld.idx.msk [tilespmem:v5+s26+$0x0], $0xffff;
	[tilespmem:s22+$0x0] =	vst v10  }
0x193: {  	v12 =	vld.idx.msk [tilespmem:v3+s26+$0x0], $0xffff;
	s31 =	sor.u32 s8, s24;
	[tilespmem:s21+$0x0] =	vst v11  }
0x194: {  	s16 =	sadd.s32 $0xFC80, s10;
	v10 =	vld.idx.msk [tilespmem:v1+s30+$0x0], $0xffff;
	s25 =	sor.u32 s14, s24;
	[tilespmem:s31+$0x0] =	vst v15  }
0x195: {  	s15 =	sor.u32 s0, s16;
	v15 =	vld.idx.msk [tilespmem:v6+s20+$0x0], $0xffff;
	[tilespmem:s25+$0x0] =	vst v14  }
0x196: {  	s17 =	sor.u32 s7, s24;
	s18 =	sor.u32 s1, s24;
	s24 =	simm.s32 $0x3F0;
	v14 =	vld.idx.msk [tilespmem:v4+s20+$0x0], $0xffff;
	[tilespmem:s15+$0x0] =	vst v8  }
0x197: {  	[tilespmem:s17+$0x0] =	vst v9;
	v9 =	vld.idx.msk [tilespmem:v7+s24+$0x0], $0xffff  }
0x198: {  	s22 =	sor.u32 s9, s4;
	v13 =	vld.idx.msk [tilespmem:v0+s30+$0x0], $0xffff;
	s30 =	simm.s32 $0x3A8;
	[tilespmem:s18+$0x0] =	vst v12;
	s17 =	sadd.s32 $0xB480, s13  }
0x199: {  	v17 =	vld.idx.msk [tilespmem:v2+s30+$0x0], $0xffff;
	s31 =	sor.u32 s8, s17;
	[tilespmem:s22+$0x0] =	vst v10  }
0x19a: {  	s18 =	sadd.s32 $0x10480, s10;
	v12 =	vld.idx.msk [tilespmem:v5+s20+$0x0], $0xffff;
	s25 =	sor.u32 s14, s17;
	[tilespmem:s31+$0x0] =	vst v15  }
0x19b: {  	v16 =	vld.idx.msk [tilespmem:v3+s20+$0x0], $0xffff;
	s20 =	sor.u32 s0, s18;
	[tilespmem:s25+$0x0] =	vst v14  }
0x19c: {  	v8 =	vld.idx.msk [tilespmem:v1+s30+$0x0], $0xffff;
	s12 =	rddreg [dreg:$0xb];
	[tilespmem:s20+$0x0] =	vst v9  }
0x19d: {  	v15 =	vld.idx.msk [tilespmem:v6+s29+$0x0], $0xffff;
	s21 =	sor.u32 $0x1, s12;
	s11 =	rddreg [dreg:$0x4]  }
0x19e: {  	v14 =	vld.idx.msk [tilespmem:v4+s29+$0x0], $0xffff;
	[dreg:$0xc] =	wrdreg s21;
	s11 =	sor.u32 s11, s21  }
0x19f: {  	s25 =	sor.u32 s7, s17;
	[dreg:$0xe] =	wrdreg s11  }
0x1a0: {  	s4 =	sor.u32 s5, s4;
	s22 =	simm.s32 $0x3A8;
	s30 =	sor.u32 s1, s17;
	[tilespmem:s25+$0x0] =	vst v12;
	v18 =	vld.idx.msk [tilespmem:v7+s19+$0x0], $0xffff  }
0x1a1: {  	s15 =	simm.s32 $0x4;
	s31 =	sor.u32 s6, s16;
	s17 =	sor.u32 s5, s16;
	[tilespmem:s30+$0x0] =	vst v16;
	v11 =	vld.idx.msk [tilespmem:v5+s29+$0x0], $0xffff  }
0x1a2: {  	s12 =	sor.u32 s5, s18;
	s20 =	sor.u32 s6, s18;
	s11 =	sadd.s32 $0xBC80, s13;
	[tilespmem:s4+$0x0] =	vst v13;
	v10 =	vld.idx.msk [tilespmem:v3+s29+$0x0], $0xffff  }
0x1a3: {  	s18 =	sor.u32 s9, s18;
	s19 =	sor.u32 s9, s16;
	[tilespmem:s31+$0x0] =	vst v17;
	s25 =	sor.u32 s14, s11;
	v9 =	vld.idx.msk [tilespmem:v0+s22+$0x0], $0xffff  }
0x1a4: {  	s30 =	sadd.s32 $0x10C80, s10;
	s31 =	sor.u32 s8, s11;
	s21 =	sor.u32 s1, s11;
	[tilespmem:s25+$0x0] =	vst v14;
	v7 =	vld.idx.msk [tilespmem:v2+s24+$0x0], $0xffff  }
0x1a5: {  	s10 =	sor.u32 s5, s30;
	[tilespmem:s31+$0x0] =	vst v15;
	s16 =	sor.u32 s6, s30;
	s0 =	sor.u32 s0, s30;
	v12 =	vld.idx.msk [tilespmem:v4+s28+$0x0], $0xffff  }
0x1a6: {  	s4 =	sor.u32 s9, s30;
	s22 =	sor.u32 s7, s11;
	s6 =	simm.s32 $0xD00;
	v13 =	vld.idx.msk [tilespmem:v6+s28+$0x0], $0xffff;
	[tilespmem:s0+$0x0] =	vst v18  }
.LBB2_5:
0x1a7: {  	s0 =	smov.u32 s14  }
0x1a8: {  	v14 =	vld [tilespmem:s6+$0x0];
	[tilespmem:s22+$0x0] =	vst v11;
	s9 =	smov.u32 s8;
	s5 =	smov.u32 s7;
	s28 =	simm.s32 $0x1B0  }
0x1a9: {  	[tilespmem:s21+$0x0] =	vst v10;
	v10 =	vld.idx.msk [tilespmem:v5+s28+$0x0], $0xffff  }
0x1aa: {  	s7 =	sadd.s32 $0xC480, s13;
	s30 =	simm.s32 $0x3F0;
	v11 =	vld.idx.msk [tilespmem:v3+s28+$0x0], $0xffff;
	[tilespmem:s19+$0x0] =	vst v8  }
0x1ab: {  	s8 =	sor.u32 s1, s7;
	s11 =	sor.u32 s9, s7;
	s14 =	sor.u32 s0, s7;
	[tilespmem:s17+$0x0] =	vst v9;
	v8 =	vld.idx.msk [tilespmem:v1+s30+$0x0], $0xffff  }
0x1ac: {  	s7 =	sor.u32 s5, s7;
	[tilespmem:s14+$0x0] =	vst v12;
	v9 =	vld.idx.msk [tilespmem:v0+s30+$0x0], $0xffff  }
0x1ad: {  	[tilespmem:s11+$0x0] =	vst v13;
	s11 =	simm.s32 $0x1F8  }
0x1ae: {  	v12 =	vld.idx.msk [tilespmem:v4+s11+$0x0], $0xffff  }
0x1af: {  	s31 =	simm.s32 $0x438;
	v13 =	vld.idx.msk [tilespmem:v6+s11+$0x0], $0xffff;
	[tilespmem:s20+$0x0] =	vst v7  }
0x1b0: {  	[tilespmem:s7+$0x0] =	vst v10;
	v7 =	vld.idx.msk [tilespmem:v2+s31+$0x0], $0xffff;
	v2 =	vmov v6  }
0x1b1: {  	[tilespmem:s8+$0x0] =	vst v11;
	v6 =	vld.idx.msk [tilespmem:v5+s11+$0x0], $0xffff  }
0x1b2: {  	s7 =	sadd.s32 $0xCC80, s13;
	v10 =	vld.idx.msk [tilespmem:v3+s11+$0x0], $0xffff;
	[tilespmem:s18+$0x0] =	vst v8  }
0x1b3: {  	s17 =	sor.u32 s1, s7;
	s8 =	sor.u32 s9, s7;
	s11 =	sor.u32 s0, s7;
	[tilespmem:s12+$0x0] =	vst v9;
	v8 =	vld.idx.msk [tilespmem:v1+s31+$0x0], $0xffff;
	v1 =	vmov v5  }
0x1b4: {  	s24 =	simm.s32 $0x240;
	s7 =	sor.u32 s5, s7;
	[tilespmem:s11+$0x0] =	vst v12;
	v5 =	vld.idx.msk [tilespmem:v0+s31+$0x0], $0xffff;
	v0 =	vmov v3;
	v3 =	vmov v14  }
0x1b5: {  	s2 =	sadd.s32 $0x40, s2;
	[tilespmem:s8+$0x0] =	vst v13;
	v9 =	vld.idx.msk [tilespmem:v4+s24+$0x0], $0xffff  }
0x1b6: {  	s15 =	sadd.s32 $0x4, s15;
	s11 =	sand.u32 $0x40, s2;
	v11 =	vld.idx.msk [tilespmem:v2+s24+$0x0], $0xffff;
	[tilespmem:s16+$0x0] =	vst v7  }
0x1b7: {  	p1 =	slt.u32 s15, $0x7C;
	s14 =	sor.u32 $0x30, s11;
	s16 =	sand.u32 $0x780, s2;
	v12 =	vld.idx.msk [tilespmem:v14+s23+$0x0], $0xffff;
	[tilespmem:s7+$0x0] =	vst v6  }
0x1b8: {  	s8 =	sor.u32 $0x10, s11;
	s7 =	sor.u32 $0x20, s11;
	s18 =	sor.u32 s16, s14;
	[tilespmem:s17+$0x0] =	vst v10;
	v10 =	vld.idx.msk [tilespmem:v1+s24+$0x0], $0xffff  }
0x1b9: {  	s19 =	sadd.s32 $0xD480, s13;
	s17 =	sor.u32 s16, s8;
	s12 =	sor.u32 s16, s7;
	v7 =	vld [tilespmem:s18+$0xC80];
	[tilespmem:s4+$0x0] =	vst v8  }
0x1ba: {  	s21 =	sor.u32 s0, s19;
	s20 =	sor.u32 s9, s19;
	s4 =	sor.u32 s1, s19;
	v6 =	vld [tilespmem:s17+$0xC80];
	[tilespmem:s10+$0x0] =	vst v5  }
0x1bb: {  	s22 =	simm.s32 $0x288;
	s10 =	sor.u32 s5, s19;
	v5 =	vld [tilespmem:s12+$0xC80];
	[tilespmem:s21+$0x0] =	vst v9  }
0x1bc: {  	[tilespmem:s20+$0x0] =	vst v11;
	v8 =	vld.idx.msk [tilespmem:v4+s22+$0x0], $0xffff  }
0x1bd: {  	v9 =	vld.idx.msk [tilespmem:v0+s24+$0x0], $0xffff  }
0x1be: {  	s3 =	sadd.s32 $0x40, s3;
	v11 =	vld.idx.msk [tilespmem:v2+s22+$0x0], $0xffff;
	[tilespmem:s10+$0x0] =	vst v10  }
0x1bf: {  	s25 =	simm.s32 $0x48;
	[tilespmem:s3+$0x0] =	vst v12;
	v10 =	vld.idx.msk [tilespmem:v1+s22+$0x0], $0xffff  }
0x1c0: {  	s10 =	sadd.s32 $0xDC80, s13;
	v12 =	vld.idx.msk [tilespmem:v3+s25+$0x0], $0xffff  }
0x1c1: {  	s19 =	sor.u32 s1, s10;
	s20 =	sor.u32 s9, s10;
	s21 =	sor.u32 s0, s10;
	v13 =	vld.idx.msk [tilespmem:v7+s23+$0x0], $0xffff  }
0x1c2: {  	s24 =	simm.s32 $0x2D0;
	s10 =	sor.u32 s5, s10;
	v14 =	vld.idx.msk [tilespmem:v6+s23+$0x0], $0xffff;
	[tilespmem:s21+$0x0] =	vst v8  }
0x1c3: {  	[tilespmem:s4+$0x0] =	vst v9;
	v8 =	vld.idx.msk [tilespmem:v4+s24+$0x0], $0xffff  }
0x1c4: {  	v9 =	vld.idx.msk [tilespmem:v5+s23+$0x0], $0xffff;
	[tilespmem:s20+$0x0] =	vst v11  }
0x1c5: {  	v11 =	vld.idx.msk [tilespmem:v0+s22+$0x0], $0xffff;
	[tilespmem:s10+$0x0] =	vst v10  }
0x1c6: {  	v10 =	vld.idx.msk [tilespmem:v2+s24+$0x0], $0xffff  }
0x1c7: {  	s4 =	sadd.s32 $0xE480, s13;
	[tilespmem:s18+$0x9480] =	vst v13;
	v13 =	vld.idx.msk [tilespmem:v1+s24+$0x0], $0xffff  }
0x1c8: {  	s10 =	sor.u32 s1, s4;
	s18 =	sor.u32 s0, s4;
	[tilespmem:s17+$0x9480] =	vst v14;
	v14 =	vld.idx.msk [tilespmem:v7+s25+$0x0], $0xffff;
	s17 =	sor.u32 s9, s4  }
0x1c9: {  	s21 =	simm.s32 $0x318;
	s4 =	sor.u32 s5, s4;
	v15 =	vld.idx.msk [tilespmem:v6+s25+$0x0], $0xffff;
	[tilespmem:s18+$0x0] =	vst v8  }
0x1ca: {  	[tilespmem:s12+$0x9480] =	vst v9;
	v8 =	vld.idx.msk [tilespmem:v4+s21+$0x0], $0xffff  }
0x1cb: {  	v9 =	vld.idx.msk [tilespmem:v5+s25+$0x0], $0xffff;
	[tilespmem:s19+$0x0] =	vst v11  }
0x1cc: {  	s12 =	sadd.s32 $0x9C80, s16;
	v11 =	vld.idx.msk [tilespmem:v0+s24+$0x0], $0xffff;
	[tilespmem:s17+$0x0] =	vst v10  }
0x1cd: {  	s18 =	sor.u32 s8, s12;
	s19 =	sor.u32 s14, s12;
	s17 =	sor.u32 s11, s12;
	v10 =	vld.idx.msk [tilespmem:v2+s21+$0x0], $0xffff;
	[tilespmem:s4+$0x0] =	vst v13  }
0x1ce: {  	s23 =	simm.s32 $0x90;
	s4 =	sor.u32 s7, s12;
	s12 =	sadd.s32 $0xEC80, s13;
	[tilespmem:s19+$0x0] =	vst v14;
	v13 =	vld.idx.msk [tilespmem:v1+s21+$0x0], $0xffff  }
0x1cf: {  	s19 =	sor.u32 s9, s12;
	s20 =	sor.u32 s0, s12;
	[tilespmem:s18+$0x0] =	vst v15;
	v14 =	vld.idx.msk [tilespmem:v7+s23+$0x0], $0xffff;
	s18 =	sor.u32 s1, s12  }
0x1d0: {  	s22 =	simm.s32 $0x360;
	s12 =	sor.u32 s5, s12;
	v15 =	vld.idx.msk [tilespmem:v6+s23+$0x0], $0xffff;
	[tilespmem:s20+$0x0] =	vst v8  }
0x1d1: {  	[tilespmem:s4+$0x0] =	vst v9;
	v8 =	vld.idx.msk [tilespmem:v4+s22+$0x0], $0xffff  }
0x1d2: {  	[tilespmem:s17+$0x0] =	vst v12;
	v9 =	vld.idx.msk [tilespmem:v5+s23+$0x0], $0xffff  }
0x1d3: {  	s4 =	sadd.s32 $0xA480, s16;
	v12 =	vld.idx.msk [tilespmem:v3+s23+$0x0], $0xffff;
	[tilespmem:s10+$0x0] =	vst v11  }
0x1d4: {  	s17 =	sor.u32 s8, s4;
	s20 =	sor.u32 s14, s4;
	s10 =	sor.u32 s11, s4;
	v11 =	vld.idx.msk [tilespmem:v0+s21+$0x0], $0xffff;
	[tilespmem:s19+$0x0] =	vst v10  }
0x1d5: {  	s19 =	sor.u32 s7, s4;
	[tilespmem:s20+$0x0] =	vst v14;
	s20 =	sadd.s32 $0xF480, s13;
	v10 =	vld.idx.msk [tilespmem:v2+s22+$0x0], $0xffff  }
0x1d6: {  	[tilespmem:s17+$0x0] =	vst v15;
	v14 =	vld.idx.msk [tilespmem:v7+s26+$0x0], $0xffff;
	s4 =	sor.u32 s1, s20;
	s21 =	sor.u32 s9, s20;
	s17 =	sor.u32 s0, s20  }
0x1d7: {  	s24 =	simm.s32 $0x3A8;
	s20 =	sor.u32 s5, s20;
	v15 =	vld.idx.msk [tilespmem:v6+s26+$0x0], $0xffff;
	[tilespmem:s17+$0x0] =	vst v8  }
0x1d8: {  	[tilespmem:s19+$0x0] =	vst v9;
	v8 =	vld.idx.msk [tilespmem:v4+s24+$0x0], $0xffff  }
0x1d9: {  	[tilespmem:s10+$0x0] =	vst v12;
	v9 =	vld.idx.msk [tilespmem:v5+s26+$0x0], $0xffff  }
0x1da: {  	s10 =	sadd.s32 $0xAC80, s16;
	v12 =	vld.idx.msk [tilespmem:v3+s26+$0x0], $0xffff;
	[tilespmem:s12+$0x0] =	vst v13  }
0x1db: {  	s12 =	sor.u32 s11, s10;
	s17 =	sor.u32 s8, s10;
	s19 =	sor.u32 s14, s10;
	[tilespmem:s18+$0x0] =	vst v11;
	v11 =	vld.idx.msk [tilespmem:v1+s22+$0x0], $0xffff  }
0x1dc: {  	s25 =	simm.s32 $0x120;
	s10 =	sor.u32 s7, s10;
	s18 =	sadd.s32 $0xFC80, s13;
	[tilespmem:s19+$0x0] =	vst v14;
	v13 =	vld.idx.msk [tilespmem:v0+s22+$0x0], $0xffff  }
0x1dd: {  	s22 =	sor.u32 s9, s18;
	s23 =	sor.u32 s0, s18;
	[tilespmem:s17+$0x0] =	vst v15;
	v14 =	vld.idx.msk [tilespmem:v7+s25+$0x0], $0xffff;
	s17 =	sor.u32 s1, s18  }
0x1de: {  	s19 =	sor.u32 s5, s18;
	v15 =	vld.idx.msk [tilespmem:v6+s25+$0x0], $0xffff;
	[tilespmem:s23+$0x0] =	vst v8  }
0x1df: {  	[tilespmem:s10+$0x0] =	vst v9;
	v9 =	vld.idx.msk [tilespmem:v4+s30+$0x0], $0xffff  }
0x1e0: {  	[tilespmem:s12+$0x0] =	vst v12;
	v12 =	vld.idx.msk [tilespmem:v5+s25+$0x0], $0xffff  }
0x1e1: {  	s10 =	sadd.s32 $0xB480, s16;
	v16 =	vld.idx.msk [tilespmem:v3+s25+$0x0], $0xffff;
	[tilespmem:s21+$0x0] =	vst v10  }
0x1e2: {  	s12 =	sor.u32 s8, s10;
	s18 =	sor.u32 s14, s10;
	s21 =	sor.u32 s11, s10;
	v17 =	vld.idx.msk [tilespmem:v2+s24+$0x0], $0xffff;
	[tilespmem:s20+$0x0] =	vst v11  }
0x1e3: {  	s10 =	sor.u32 s7, s10;
	[tilespmem:s18+$0x0] =	vst v14;
	s18 =	sadd.s32 $0x10480, s13;
	v8 =	vld.idx.msk [tilespmem:v1+s24+$0x0], $0xffff  }
0x1e4: {  	[tilespmem:s12+$0x0] =	vst v15;
	v14 =	vld.idx.msk [tilespmem:v7+s29+$0x0], $0xffff;
	s12 =	sor.u32 s1, s18;
	s20 =	sor.u32 s9, s18;
	s23 =	sor.u32 s0, s18  }
0x1e5: {  	s18 =	sor.u32 s5, s18;
	v15 =	vld.idx.msk [tilespmem:v6+s29+$0x0], $0xffff;
	[tilespmem:s23+$0x0] =	vst v9  }
0x1e6: {  	[tilespmem:s10+$0x0] =	vst v12;
	v18 =	vld.idx.msk [tilespmem:v4+s31+$0x0], $0xffff;
	v4 =	vmov v7  }
0x1e7: {  	[tilespmem:s21+$0x0] =	vst v16;
	v11 =	vld.idx.msk [tilespmem:v5+s29+$0x0], $0xffff  }
.Ltmp1:
0x1e8: {  	s6 =	sadd.s32 $0x40, s6;
	s10 =	sadd.s32 $0xBC80, s16;
	v10 =	vld.idx.msk [tilespmem:v3+s29+$0x0], $0xffff;
	[tilespmem:s4+$0x0] =	vst v13;
	(pc) =	sbr.rel @p1 .LBB2_5-.Ltmp1, $4  }
0x1e9: {  	s21 =	sor.u32 s11, s10;
	s23 =	sor.u32 s14, s10;
	s4 =	sor.u32 s8, s10;
	v9 =	vld.idx.msk [tilespmem:v0+s24+$0x0], $0xffff;
	[tilespmem:s22+$0x0] =	vst v17  }
0x1ea: {  	s22 =	sor.u32 s7, s10;
	[tilespmem:s23+$0x0] =	vst v14;
	s23 =	sadd.s32 $0x10C80, s13;
	v7 =	vld.idx.msk [tilespmem:v2+s30+$0x0], $0xffff;
	s13 =	smov.u32 s16  }
0x1eb: {  	[tilespmem:s4+$0x0] =	vst v15;
	v12 =	vld.idx.msk [tilespmem:v4+s28+$0x0], $0xffff;
	s10 =	sor.u32 s1, s23;
	s16 =	sor.u32 s9, s23;
	s0 =	sor.u32 s0, s23  }
0x1ec: {  	s4 =	sor.u32 s5, s23;
	s23 =	simm.s32 $0x0;
	s1 =	smov.u32 s11;
	v13 =	vld.idx.msk [tilespmem:v6+s28+$0x0], $0xffff;
	[tilespmem:s0+$0x0] =	vst v18  }
0x1ed: {  	_ =	sdelay $0x2  }
0x1ee: {  	[tilespmem:s22+$0x0] =	vst v11;
	s0 =	simm.s32 $0x1B0  }
0x1ef: {  	[tilespmem:s21+$0x0] =	vst v10;
	v41 =	vld.idx.msk [tilespmem:v5+s0+$0x0], $0xffff  }
0x1f0: {  	s25 =	sadd.s32 $0xC480, s13;
	v42 =	vld.idx.msk [tilespmem:v3+s0+$0x0], $0xffff  }
0x1f1: {  	s2 =	sor.u32 s14, s25  }
0x1f2: {  	s3 =	simm.s32 $0x1F8;
	s26 =	sor.u32 s8, s25;
	[tilespmem:s2+$0x0] =	vst v12  }
0x1f3: {  	s31 =	sor.u32 s7, s25;
	[tilespmem:s26+$0x0] =	vst v13;
	v12 =	vld.idx.msk [tilespmem:v4+s3+$0x0], $0xffff  }
0x1f4: {  	s0 =	sor.u32 s1, s25;
	v13 =	vld.idx.msk [tilespmem:v6+s3+$0x0], $0xffff;
	[tilespmem:s31+$0x0] =	vst v41  }
0x1f5: {  	[tilespmem:s0+$0x0] =	vst v42;
	v10 =	vld.idx.msk [tilespmem:v5+s3+$0x0], $0xffff  }
0x1f6: {  	s5 =	sadd.s32 $0xCC80, s13;
	v11 =	vld.idx.msk [tilespmem:v3+s3+$0x0], $0xffff  }
0x1f7: {  	s6 =	sor.u32 s14, s5  }
0x1f8: {  	s15 =	simm.s32 $0x240;
	s9 =	sor.u32 s8, s5;
	[tilespmem:s6+$0x0] =	vst v12  }
0x1f9: {  	s11 =	sor.u32 s7, s5;
	[tilespmem:s9+$0x0] =	vst v13;
	v12 =	vld.idx.msk [tilespmem:v4+s15+$0x0], $0xffff  }
0x1fa: {  	s0 =	sor.u32 s1, s5;
	v13 =	vld.idx.msk [tilespmem:v6+s15+$0x0], $0xffff;
	[tilespmem:s11+$0x0] =	vst v10  }
0x1fb: {  	[tilespmem:s0+$0x0] =	vst v11;
	v10 =	vld.idx.msk [tilespmem:v5+s15+$0x0], $0xffff  }
0x1fc: {  	s21 =	sadd.s32 $0xD480, s13;
	v11 =	vld.idx.msk [tilespmem:v3+s15+$0x0], $0xffff  }
0x1fd: {  	s22 =	sor.u32 s14, s21  }
0x1fe: {  	s24 =	sor.u32 s8, s21;
	s26 =	simm.s32 $0x288;
	[tilespmem:s22+$0x0] =	vst v12  }
0x1ff: {  	s25 =	sor.u32 s7, s21;
	[tilespmem:s24+$0x0] =	vst v13;
	v12 =	vld.idx.msk [tilespmem:v4+s26+$0x0], $0xffff  }
0x200: {  	s0 =	sor.u32 s1, s21;
	v13 =	vld.idx.msk [tilespmem:v6+s26+$0x0], $0xffff;
	[tilespmem:s25+$0x0] =	vst v10  }
0x201: {  	[tilespmem:s0+$0x0] =	vst v11;
	v10 =	vld.idx.msk [tilespmem:v5+s26+$0x0], $0xffff  }
0x202: {  	s31 =	sadd.s32 $0xDC80, s13;
	v11 =	vld.idx.msk [tilespmem:v3+s26+$0x0], $0xffff  }
0x203: {  	s5 =	sor.u32 s14, s31  }
0x204: {  	s6 =	sor.u32 s8, s31;
	s11 =	simm.s32 $0x2D0;
	[tilespmem:s5+$0x0] =	vst v12  }
0x205: {  	s9 =	sor.u32 s7, s31;
	[tilespmem:s6+$0x0] =	vst v13;
	v12 =	vld.idx.msk [tilespmem:v4+s11+$0x0], $0xffff  }
0x206: {  	s0 =	sor.u32 s1, s31;
	v43 =	vld.idx.msk [tilespmem:v6+s11+$0x0], $0xffff;
	[tilespmem:s9+$0x0] =	vst v10  }
0x207: {  	[tilespmem:s0+$0x0] =	vst v11;
	v44 =	vld.idx.msk [tilespmem:v5+s11+$0x0], $0xffff  }
0x208: {  	s15 =	sadd.s32 $0xE480, s13;
	v11 =	vld.idx.msk [tilespmem:v3+s11+$0x0], $0xffff  }
0x209: {  	s21 =	sor.u32 s14, s15  }
0x20a: {  	s22 =	sor.u32 s8, s15;
	s25 =	simm.s32 $0x318;
	[tilespmem:s21+$0x0] =	vst v12  }
0x20b: {  	s24 =	sor.u32 s7, s15;
	[tilespmem:s22+$0x0] =	vst v43;
	v45 =	vld.idx.msk [tilespmem:v4+s25+$0x0], $0xffff  }
0x20c: {  	s0 =	sor.u32 s1, s15;
	v46 =	vld.idx.msk [tilespmem:v6+s25+$0x0], $0xffff;
	[tilespmem:s24+$0x0] =	vst v44  }
0x20d: {  	[tilespmem:s0+$0x0] =	vst v11;
	v13 =	vld.idx.msk [tilespmem:v5+s25+$0x0], $0xffff  }
0x20e: {  	s26 =	sadd.s32 $0xEC80, s13;
	v11 =	vld.idx.msk [tilespmem:v3+s25+$0x0], $0xffff  }
0x20f: {  	[tilespmem:s19+$0x0] =	vst v8;
	s31 =	sor.u32 s14, s26  }
0x210: {  	s3 =	sor.u32 s8, s26;
	s6 =	simm.s32 $0x360;
	[tilespmem:s31+$0x0] =	vst v45  }
0x211: {  	s5 =	sor.u32 s7, s26;
	[tilespmem:s3+$0x0] =	vst v46;
	v10 =	vld.idx.msk [tilespmem:v4+s6+$0x0], $0xffff  }
0x212: {  	s0 =	sor.u32 s1, s26;
	v12 =	vld.idx.msk [tilespmem:v6+s6+$0x0], $0xffff;
	[tilespmem:s5+$0x0] =	vst v13  }
0x213: {  	[tilespmem:s0+$0x0] =	vst v11;
	v47 =	vld.idx.msk [tilespmem:v5+s6+$0x0], $0xffff  }
0x214: {  	[tilespmem:s20+$0x0] =	vst v7;
	s9 =	sadd.s32 $0xF480, s13;
	s24 =	simm.s32 $0x438;
	v48 =	vld.idx.msk [tilespmem:v3+s6+$0x0], $0xffff  }
0x215: {  	[tilespmem:s17+$0x0] =	vst v9;
	s11 =	sor.u32 s14, s9;
	v2 =	vld.idx.msk [tilespmem:v2+s24+$0x0], $0xffff;
	s5 =	simm.s32 $0x3F0  }
0x216: {  	s19 =	simm.s32 $0x3A8;
	s15 =	sor.u32 s8, s9;
	v49 =	vld.idx.msk [tilespmem:v1+s5+$0x0], $0xffff;
	[tilespmem:s11+$0x0] =	vst v10  }
0x217: {  	s17 =	sor.u32 s7, s9;
	[tilespmem:s15+$0x0] =	vst v12;
	v10 =	vld.idx.msk [tilespmem:v4+s19+$0x0], $0xffff  }
0x218: {  	s0 =	sor.u32 s1, s9;
	v50 =	vld.idx.msk [tilespmem:v6+s19+$0x0], $0xffff;
	[tilespmem:s17+$0x0] =	vst v47  }
0x219: {  	[tilespmem:s0+$0x0] =	vst v48;
	v51 =	vld.idx.msk [tilespmem:v5+s19+$0x0], $0xffff  }
0x21a: {  	s21 =	sadd.s32 $0xFC80, s13;
	[tilespmem:s16+$0x0] =	vst v2;
	v52 =	vld.idx.msk [tilespmem:v3+s19+$0x0], $0xffff  }
0x21b: {  	s22 =	sor.u32 s14, s21;
	v53 =	vld.idx.msk [tilespmem:v0+s5+$0x0], $0xffff;
	[tilespmem:s18+$0x0] =	vst v49  }
0x21c: {  	s25 =	sor.u32 s8, s21;
	v58 =	vld.idx.msk [tilespmem:v1+s24+$0x0], $0xffff;
	[tilespmem:s22+$0x0] =	vst v10  }
0x21d: {  	s26 =	sor.u32 s7, s21;
	[tilespmem:s25+$0x0] =	vst v50;
	v54 =	vld.idx.msk [tilespmem:v4+s5+$0x0], $0xffff  }
0x21e: {  	s0 =	sor.u32 s1, s21;
	v55 =	vld.idx.msk [tilespmem:v6+s5+$0x0], $0xffff;
	[tilespmem:s26+$0x0] =	vst v51  }
0x21f: {  	[tilespmem:s0+$0x0] =	vst v52;
	v56 =	vld.idx.msk [tilespmem:v5+s5+$0x0], $0xffff  }
0x220: {  	s31 =	sadd.s32 $0x10480, s13;
	[tilespmem:s12+$0x0] =	vst v53;
	v57 =	vld.idx.msk [tilespmem:v3+s5+$0x0], $0xffff  }
0x221: {  	[tilespmem:s4+$0x0] =	vst v58;
	s5 =	sor.u32 s14, s31  }
0x222: {  	s6 =	sor.u32 s8, s31;
	v59 =	vld.idx.msk [tilespmem:v0+s24+$0x0], $0xffff;
	[tilespmem:s5+$0x0] =	vst v54  }
0x223: {  	s9 =	sor.u32 s7, s31;
	[tilespmem:s6+$0x0] =	vst v55;
	v60 =	vld.idx.msk [tilespmem:v4+s24+$0x0], $0xffff  }
0x224: {  	s0 =	sor.u32 s1, s31;
	v61 =	vld.idx.msk [tilespmem:v6+s24+$0x0], $0xffff;
	[tilespmem:s9+$0x0] =	vst v56  }
0x225: {  	[tilespmem:s0+$0x0] =	vst v57;
	v62 =	vld.idx.msk [tilespmem:v5+s24+$0x0], $0xffff  }
0x226: {  	s11 =	sadd.s32 $0x10C80, s13;
	v63 =	vld.idx.msk [tilespmem:v3+s24+$0x0], $0xffff;
	s6 =	rddreg [dreg:$0xe]  }
0x227: {  	s3 =	simm.s32 @!p0 $0xC80;
	s12 =	sor.u32 s14, s11;
	[tilespmem:s10+$0x0] =	vst v59;
	s2 =	sadd.s32 @!p0 $0x2, s6  }
0x228: {  	s13 =	sor.u32 s8, s11;
	s14 =	sor.u32 s7, s11;
	s4 =	sshll.u32 @!p0 s2, $0x4;
	[tilespmem:s12+$0x0] =	vst v60  }
0x229: {  	s5 =	rddreg [dreg:$0x1];
	s2 =	sshll.u32 @!p0 s2, $0x8;
	s4 =	sand.u32 @!p0 $0x70, s4;
	[tilespmem:s13+$0x0] =	vst v61  }
0x22a: {  	s0 =	sor.u32 s1, s11;
	s2 =	sand.u32 @!p0 $0xFFFF800, s2;
	s4 =	sadd.s32 @!p0 s5, s4;
	[tilespmem:s14+$0x0] =	vst v62  }
0x22b: {  	s1 =	sadd.s32 @!p0 s2, s4;
	[tilespmem:s0+$0x0] =	vst v63;
	s0 =	simm.s32 @!p0 $0x80;
	s2 =	simm.s32 @!p0 $0x400  }
0x22c: {  	[tilespmem:s3], [sflag:$0x2] =	stream.strided.gather @!p0 [hbm4b:s1+s0], $0x800, s2, s0, $0x38;
	[tilespmem:$0x11480] =	vst v63  }
0x22d: {  	s15 =	rddreg [dreg:$0xc]  }
0x22e: {  	s0 =	sshll.u32 s15, $0x4  }
0x22f: {  	s17 =	rddreg [dreg:$0x2];
	s16 =	sshll.u32 s6, $0x8;
	s0 =	sand.u32 $0x70, s0  }
0x230: {  	s18 =	simm.s32 $0x9480;
	s1 =	sand.u32 $0x7F800, s16;
	s0 =	sadd.s32 s17, s0  }
0x231: {  	s2 =	simm.s32 $0x80;
	s3 =	simm.s32 $0x400;
	s0 =	sadd.s32 s1, s0  }
0x232: {  	[hbm4b:s0+s2] =	stream.strided.scatter [tilespmem:s18], [sflag:$0x4], $0x800, s3, s2, $0x38;
	[tilespmem:$0x11480] =	vst v63  }
0x233: {  	s28 =	simm.s32 $0x360;
	s20 =	simm.s32 $0x9C80;
	s19 =	sadd.s32 $0x80000, s0  }
0x234: {  	[hbm4b:s19+s2] =	stream.strided.scatter [tilespmem:s20], [sflag:$0x4], $0x800, s3, s2, $0x38;
	[tilespmem:$0x11480] =	vst v63  }
0x235: {  	s29 =	simm.s32 $0x3A8;
	s22 =	simm.s32 $0xA480;
	s21 =	sadd.s32 $0x100000, s0  }
0x236: {  	[hbm4b:s21+s2] =	stream.strided.scatter [tilespmem:s22], [sflag:$0x4], $0x800, s3, s2, $0x38;
	[tilespmem:$0x11480] =	vst v63  }
0x237: {  	s30 =	simm.s32 $0x3F0;
	s25 =	simm.s32 $0xAC80;
	s24 =	sadd.s32 $0x180000, s0  }
0x238: {  	[hbm4b:s24+s2] =	stream.strided.scatter [tilespmem:s25], [sflag:$0x4], $0x800, s3, s2, $0x38;
	[tilespmem:$0x11480] =	vst v63  }
0x239: {  	s8 =	simm.s32 $0xC480;
	s31 =	simm.s32 $0xB480;
	s26 =	sadd.s32 $0x200000, s0  }
0x23a: {  	[hbm4b:s26+s2] =	stream.strided.scatter [tilespmem:s31], [sflag:$0x4], $0x800, s3, s2, $0x38;
	[tilespmem:$0x11480] =	vst v63  }
0x23b: {  	s10 =	simm.s32 $0xCC80;
	s6 =	simm.s32 $0xBC80;
	s5 =	sadd.s32 $0x280000, s0  }
0x23c: {  	[hbm4b:s5+s2] =	stream.strided.scatter [tilespmem:s6], [sflag:$0x4], $0x800, s3, s2, $0x38;
	[tilespmem:$0x11480] =	vst v63  }
0x23d: {  	s12 =	simm.s32 $0xD480;
	s14 =	simm.s32 $0xDC80;
	s7 =	sadd.s32 $0x300000, s0  }
0x23e: {  	[hbm4b:s7+s2] =	stream.strided.scatter [tilespmem:s8], [sflag:$0x4], $0x800, s3, s2, $0x38;
	[tilespmem:$0x11480] =	vst v63  }
0x23f: {  	s16 =	simm.s32 $0xE480;
	s9 =	sadd.s32 $0x380000, s0;
	s11 =	sadd.s32 $0x400000, s0  }
0x240: {  	[hbm4b:s9+s2] =	stream.strided.scatter [tilespmem:s10], [sflag:$0x4], $0x800, s3, s2, $0x38;
	[tilespmem:$0x11480] =	vst v63  }
0x241: {  	s13 =	sadd.s32 $0x480000, s0;
	s15 =	sadd.s32 $0x500000, s0;
	s17 =	sadd.s32 $0x580000, s0  }
0x242: {  	[hbm4b:s11+s2] =	stream.strided.scatter [tilespmem:s12], [sflag:$0x4], $0x800, s3, s2, $0x38;
	[tilespmem:$0x11480] =	vst v63  }
0x243: {  	s18 =	simm.s32 $0xEC80;
	s19 =	sadd.s32 $0x600000, s0;
	s20 =	simm.s32 $0xF480  }
0x244: {  	[hbm4b:s13+s2] =	stream.strided.scatter [tilespmem:s14], [sflag:$0x4], $0x800, s3, s2, $0x38;
	[tilespmem:$0x11480] =	vst v63  }
0x245: {  	s21 =	sadd.s32 $0x680000, s0;
	s22 =	simm.s32 $0xFC80;
	s31 =	rddreg [dreg:$0xa]  }
0x246: {  	[hbm4b:s15+s2] =	stream.strided.scatter [tilespmem:s16], [sflag:$0x4], $0x800, s3, s2, $0x38;
	[tilespmem:$0x11480] =	vst v63  }
0x247: {  	s24 =	sadd.s32 $0x700000, s0;
	s25 =	simm.s32 $0x10480;
	s1 =	sadd.s32 $0x1, s31  }
0x248: {  	[hbm4b:s17+s2] =	stream.strided.scatter [tilespmem:s18], [sflag:$0x4], $0x800, s3, s2, $0x38;
	[tilespmem:$0x11480] =	vst v63  }
0x249: {  	s0 =	sadd.s32 $0x780000, s0;
	s26 =	simm.s32 $0x10C80;
	p0 =	sne.s32 s1, $0x20  }
0x24a: {  	[hbm4b:s19+s2] =	stream.strided.scatter [tilespmem:s20], [sflag:$0x4], $0x800, s3, s2, $0x38;
	[tilespmem:$0x11480] =	vst v63  }
0x24b: {  	s7 =	simm.s32 $0x1B0;
	s8 =	simm.s32 $0x1F8;
	s18 =	simm.s32 $0x48  }
0x24c: {  	[hbm4b:s21+s2] =	stream.strided.scatter [tilespmem:s22], [sflag:$0x4], $0x800, s3, s2, $0x38;
	[tilespmem:$0x11480] =	vst v63  }
.Ltmp2:
0x24d: {  	s17 =	simm.s32 $0x240;
	s19 =	simm.s32 $0x90;
	(pc) =	sbr.rel @p0 .LBB2_2-.Ltmp2, $4  }
0x24e: {  	[hbm4b:s24+s2] =	stream.strided.scatter [tilespmem:s25], [sflag:$0x4], $0x800, s3, s2, $0x38;
	[tilespmem:$0x11480] =	vst v63  }
0x24f: {  	s20 =	simm.s32 $0xD8;
	s21 =	simm.s32 $0x120;
	s22 =	simm.s32 $0x168  }
0x250: {  	[hbm4b:s0+s2] =	stream.strided.scatter [tilespmem:s26], [sflag:$0x4], $0x800, s3, s2, $0x38;
	[tilespmem:$0x11480] =	vst v63  }
0x251: {  	s24 =	simm.s32 $0x288;
	s25 =	simm.s32 $0x2D0;
	s26 =	simm.s32 $0x318  }
0x252: {  	s0 =	simm.s32 $0x3  }
0x253: {  	_ =	swait.ge [sflag:s0], $0x8000  }
0x254: {  	[sflag:s0] =	ssyncset.done $0x0  }
0x255: {  	s1 =	simm.s32 $0x4;
	[sflag:s0] =	ssyncadd.s32 $0xFFFF8000  }
0x256: {  	_ =	swait.ge [sflag:s1], $0x8000  }
0x257: {  	s2 =	rddreg [dreg:$0x9]  }
0x258: {  	s31 =	rddreg [dreg:$0x8];
	s2 =	sadd.s32 $0x1, s2  }
0x259: {  	p0 =	sne.s32 s2, s31  }
.Ltmp3:
0x25a: {  	_ = 	snop;
	(pc) =	sbr.rel @p0 .LBB2_1-.Ltmp3, $3  }
0x25b: {  	_ =	sdelay $0x1  }
0x25c: {  	[sflag:s1] =	ssyncset.done $0x0  }
0x25d: {  	[sflag:s1] =	ssyncadd.s32 $0xFFFF8000  }
0x25e: {  	_ =	sfence.sel $0x180000  }
0x25f: {  	[bflag:$0x0] =	sbarrier.arrive $0xFFFF  }
0x260: {  	_ =	strace $0x90000047  }
0x261: {  	s0 =	stileid.u32;
	[bflag:$0x2] =	sbarrier.arrive $0xFFFF  }
0x262: {  	p0 =	sne.s32 s0, $0x0;
	s0 =	rddreg [dreg:$0x3]  }
0x263: {  	s0 =	sadd.s32 @!p0 $0x100000, s0  }
0x264: {  	[sflag:s0] =	ssyncadd.tile.s32 @!p0 $0x1;
	_ =	shalt  }
.Lfunc_end2:
_tile_overlayer_lowered:
.L_overlay_start_2:
0x265: {  	(tag) =	ssettag $0x2  }
0x266: {  	s0 =	rddreg [dreg:$0x0];
	s2 =	stileid.u32  }
0x267: {  	s1 =	rddreg [dreg:$0x1];
	p0 =	sne.s32 s2, $0x0  }
0x268: {  	s3 =	rddreg [dreg:$0x2];
	[bflag:$0x3] =	sbarrier.arrive $0xFFFF;
	s2 =	simm.s32 @!p0 $0x1C05  }
0x269: {  	[timem:s3], [sflag:s2] =	dma.local @!p0 [hbm:s0], s1  }
0x26a: {  	s0 =	simm.s32 @!p0 $0x5  }
0x26b: {  	_ =	swait.ge @!p0 [sflag:s0], s1  }
0x26c: {  	s1 =	ssub.s32 @!p0 $0x0, s1;
	[sflag:s0] =	ssyncset.done @!p0 $0x0  }
0x26d: {  	[sflag:s0] =	ssyncadd.s32 @!p0 s1  }
0x26e: {  	[bflag:$0x3] =	sbarrier.arrive $0xFFFF  }
0x26f: {  	_ =	shalt  }

</sc_bundles>
